<compile_context>
chip_gen: v7x
topology: tpu7x:2x2x1
jax: 0.10.2.dev20260603
libtpu: 0.0.44.dev20260713+nightly
codegen_flags: <defaults>
</compile_context>

<pallas_src>
import functools

import jax
import jax.numpy as jnp
from jax import lax
from jax.experimental import pallas as pl
from jax.experimental.pallas import tpu as pltpu
from jax.experimental.pallas import tpu_sc as plsc

_B = 1024
_NU = 128
_NP = 512
_TEMP = 0.3
_LOW = 0.4
_HIGH = 0.7
_MARGIN = 0.1
_LAMBDA_ORTHO = 0.1
_CHUNK = 128
_NCHUNK = _B // _CHUNK
_L = 16
_NVEC = _B // _L



_sc_mesh = plsc.VectorSubcoreMesh(core_axis_name="c", subcore_axis_name="s")


@functools.partial(
    pl.kernel,
    out_type=jax.ShapeDtypeStruct((_B,), jnp.float32),
    mesh=_sc_mesh,
    compiler_params=pltpu.CompilerParams(needs_layout_passes=False),
    scratch_types=[
        pltpu.VMEM((_B,), jnp.int32),
        pltpu.VMEM((_B,), jnp.int32),
        pltpu.VMEM((_NU * _NP,), jnp.int32),
        pltpu.VMEM((_B,), jnp.float32),
    ],
)
def _sc_dedup(uid_hbm, pid_hbm, win_out, uid_v, pid_v, ws, win_v):
    cid = lax.axis_index("c")
    sid = lax.axis_index("s")
    lanes = lax.iota(jnp.int32, _L)

    @pl.when((cid == 0) & (sid == 0))
    def _():
        pltpu.sync_copy(uid_hbm, uid_v)
        pltpu.sync_copy(pid_hbm, pid_v)

        def scatter_pass(i, c):
            base = i * _L
            u16 = uid_v[pl.ds(base, _L)]
            p16 = pid_v[pl.ds(base, _L)]
            plsc.store_scatter(ws, [u16 * _NP + p16], lanes + base)
            return c

        lax.fori_loop(0, _NVEC, scatter_pass, 0)

        def gather_pass(i, c):
            base = i * _L
            u16 = uid_v[pl.ds(base, _L)]
            p16 = pid_v[pl.ds(base, _L)]
            wkey = plsc.load_gather(ws, [u16 * _NP + p16])
            win_v[pl.ds(base, _L)] = jnp.where(wkey == lanes + base, 1.0, 0.0)
            return c

        lax.fori_loop(0, _NVEC, gather_pass, 0)
        pltpu.sync_copy(win_v, win_out)



def _tca_body(u_ref, p_ref, t_row_ref, uid_row_ref,
              dcol_ref, drow_ref, tcol_ref, ucol_ref, ortho_ref):
    f32 = jnp.float32
    diff = u_ref[...] - p_ref[...] + 1e-6
    dist_col = jnp.sqrt(jnp.sum(diff * diff, axis=1, keepdims=True))
    dcol_ref[...] = dist_col
    drow_ref[...] = jnp.transpose(dist_col)
    tcol_ref[...] = jnp.transpose(t_row_ref[...])
    ucol_ref[...] = jnp.transpose(uid_row_ref[...])
    gram = lax.dot_general(u_ref[...], p_ref[...],
                           dimension_numbers=(((0,), (0,)), ((), ())),
                           preferred_element_type=f32)
    ortho_ref[...] = jnp.reshape(jnp.mean(jnp.abs(gram)), (1, 1))



def _tcb_body(t_row_ref, uid_row_ref, pid_row_ref, wrow_ref, dcol_ref,
              drow_ref, tcol_ref, ucol_ref, ortho_ref, out_ref, wcol_ref):
    f32 = jnp.float32
    t_row = t_row_ref[...]
    uid_row = uid_row_ref[...]
    pid_row = pid_row_ref[...]
    winner_row = wrow_ref[...]
    dist_row = drow_ref[...]

    wcol_ref[...] = jnp.transpose(winner_row)

    onehot_u = (lax.broadcasted_iota(jnp.int32, (_NU, _B), 0)
                == uid_row).astype(f32)
    Ucnt = jnp.sum(jnp.max(onehot_u, axis=1, keepdims=True))
    onehot_p = (lax.broadcasted_iota(jnp.int32, (_NP, _B), 0)
                == pid_row).astype(f32)
    nP = jnp.sum(jnp.max(onehot_p, axis=1))

    row_ok = winner_row * (t_row > 0.0).astype(f32)

    hinge_sum = jnp.zeros((), f32)
    for ib in range(_NCHUNK):
        base = ib * _CHUNK
        width = _B - base
        uc = ucol_ref[pl.ds(base, _CHUNK), :]
        tc = tcol_ref[pl.ds(base, _CHUNK), :]
        dc = dcol_ref[pl.ds(base, _CHUNK), :]
        wc = wcol_ref[pl.ds(base, _CHUNK), :]
        tr = t_row[:, base:]
        ur = uid_row[:, base:]
        dr = dist_row[:, base:]
        rk = row_ok[:, base:]
        i_l = lax.broadcasted_iota(jnp.int32, (_CHUNK, width), 0)
        j_l = lax.broadcasted_iota(jnp.int32, (_CHUNK, width), 1)
        term = jax.nn.relu(jnp.sign(tr - tc) * (dc - dr) + _MARGIN)
        mask = (uc == ur) & (j_l > i_l) & (tc != tr)
        contrib = term * mask.astype(f32) * (wc * (tc > 0.0).astype(f32)) * rk
        hinge_sum = hinge_sum + jnp.sum(contrib)
    hinge = hinge_sum / Ucnt

    e_row = jnp.exp(-dist_row / _TEMP)
    pos_row = (t_row > _HIGH).astype(f32)
    w_row = jnp.where(t_row > _HIGH, 1.0,
                      jnp.where(t_row < _LOW, 1.5, 0.3))
    k_u = jnp.sum(onehot_u * winner_row, axis=1, keepdims=True)
    sum_we = jnp.sum(onehot_u * (winner_row * w_row * e_row), axis=1,
                     keepdims=True)
    num = jnp.sum(onehot_u * (winner_row * pos_row * e_row), axis=1,
                  keepdims=True)
    npos = jnp.sum(onehot_u * (winner_row * pos_row), axis=1, keepdims=True)
    denom = 0.3 * (nP - k_u) + sum_we + 1e-8
    valid = (npos > 0.0).astype(f32)
    num_safe = jnp.where(npos > 0.0, num, denom)
    lpu = -jnp.log(num_safe / denom)
    n_valid = jnp.sum(valid)
    nce = jnp.where(n_valid > 0.0,
                    jnp.sum(lpu * valid) / jnp.maximum(n_valid, 1.0), 0.0)

    total = nce + hinge + ortho_ref[0, 0] * _LAMBDA_ORTHO
    out_ref[...] = jnp.reshape(total, (1, 1))



@jax.jit
def _run(u_emb, p_emb, t, uid, pid):
    win = _sc_dedup(uid, pid)

    t_row = t.reshape(1, _B)
    uid_row = uid.reshape(1, _B)
    dcol, drow, tcol, ucol, ortho = pl.pallas_call(
        _tca_body,
        out_shape=[jax.ShapeDtypeStruct((_B, 1), jnp.float32),
                   jax.ShapeDtypeStruct((1, _B), jnp.float32),
                   jax.ShapeDtypeStruct((_B, 1), jnp.float32),
                   jax.ShapeDtypeStruct((_B, 1), jnp.int32),
                   jax.ShapeDtypeStruct((1, 1), jnp.float32)],
    )(u_emb, p_emb, t_row, uid_row)

    out = pl.pallas_call(
        _tcb_body,
        out_shape=jax.ShapeDtypeStruct((1, 1), jnp.float32),
        scratch_shapes=[pltpu.VMEM((_B, 1), jnp.float32)],
    )(t_row, uid_row, pid.reshape(1, _B), win.reshape(1, _B),
      dcol, drow, tcol, ucol, ortho)
    return out[0, 0]


def kernel(u_emb, p_emb, p_views, t, user_ids, prop_ids):
    del p_views
    return _run(u_emb, p_emb, t.astype(jnp.float32),
                user_ids.astype(jnp.int32), prop_ids.astype(jnp.int32))

# --- scband reference (transcript-rebuilt; emitter-appended) ---
"""Pipeline reference for scband-soft-contrastive-loss-51092930953476 (READ-ONLY COPY).

The authoritative reference and input builder live on the scoring server;
editing this copy changes nothing except your own understanding.
"""

import jax, jax.numpy as jnp
import numpy as np

MARGIN = 1.0
TEMP = 0.3
LAMBDA_ORTHO = 0.1
LOW_THRESH = 0.4
HIGH_THRESH = 0.7


def float_to_sign(x, low_thresh, high_thresh):
    return jnp.where(x > high_thresh, 1.0, jnp.where(x < low_thresh, -1.0, 0.0))


def multi_pos_info_nce(dist_matrix, label_matrix, w_neg=1.5, w_unl=0.3, tau=0.07, eps=1e-08, col_mask=None):
    sim = -dist_matrix
    pos_mask = (label_matrix == 1)
    neg_mask = (label_matrix == -1)
    unl_mask = (label_matrix == 0)
    W = pos_mask.astype(sim.dtype) * 1.0 + neg_mask.astype(sim.dtype) * w_neg + unl_mask.astype(sim.dtype) * w_unl
    exp_sim = jnp.exp(sim / tau)
    weighted = W * exp_sim
    if col_mask is not None:
        weighted = weighted * col_mask[None, :]
    num = (weighted * pos_mask).sum(axis=1)
    denom = weighted.sum(axis=1) + eps
    valid = pos_mask.sum(axis=1) > 0
    n_valid = valid.sum()
    # safe masked mean equivalent to -log(num[valid]/denom[valid]).mean()
    num_safe = jnp.where(valid, num, denom)
    loss_per_user = -jnp.log(num_safe / denom)
    mean_loss = (loss_per_user * valid).sum() / jnp.maximum(n_valid, 1)
    return jnp.where(n_valid > 0, mean_loss, 0.0)


def pairwise_positive_ranking_loss(dist_matrix, score_matrix, margin=0.1, num_users=None):
    # vectorized, math-identical to the per-user double loop over positive pairs i<j
    U, P = dist_matrix.shape
    if num_users is not None:
        U = num_users
    pos = score_matrix > 0
    si = score_matrix[:, :, None]
    sj = score_matrix[:, None, :]
    di = dist_matrix[:, :, None]
    dj = dist_matrix[:, None, :]
    sign = jnp.sign(sj - si)
    term = jax.nn.relu(sign * (di - dj) + margin)
    triu = jnp.triu(jnp.ones((P, P), dtype=bool), k=1)[None, :, :]
    mask = pos[:, :, None] & pos[:, None, :] & (si != sj) & triu
    return (term * mask).sum() / U


def setup_inputs(seed: int = 0) -> dict:
    key = jax.random.key(seed)
    k1, k2, k3, k4, k5, k6 = jax.random.split(key, 6)
    B, D = 1024, 128
    u_emb = jax.random.normal(k1, (B, D), dtype=jnp.float32)
    p_emb = jax.random.normal(k2, (B, D), dtype=jnp.float32)
    p_views = jax.random.normal(k3, (B,), dtype=jnp.float32)
    t = jax.random.uniform(k4, (B,), dtype=jnp.float32)
    user_ids = jax.random.randint(k5, (B,), 0, 128, dtype=jnp.int64)
    prop_ids = jax.random.randint(k6, (B,), 0, 512, dtype=jnp.int64)
    return {"u_emb": u_emb, "p_emb": p_emb, "p_views": p_views, "t": t, "user_ids": user_ids, "prop_ids": prop_ids}


def reference(u_emb, p_emb, p_views, t, user_ids, prop_ids):
    NU, NP = 128, 512
    present_u = jnp.zeros((NU,), dtype=bool).at[user_ids].set(True)
    present_p = jnp.zeros((NP,), dtype=bool).at[prop_ids].set(True)
    U = present_u.sum()
    M = jnp.zeros((NU, NP), dtype=jnp.float32).at[user_ids, prop_ids].set(t)
    T = jnp.zeros((NU, NP), dtype=jnp.float32).at[user_ids, prop_ids].set(float_to_sign(t, LOW_THRESH, HIGH_THRESH))
    dir_matrix = jnp.zeros((NU, NP), dtype=jnp.float32).at[user_ids, prop_ids].set(jnp.sign(t - 0.5))
    dist = jnp.linalg.norm(u_emb - p_emb + 1e-06, axis=1)
    dist_matrix = jnp.zeros((NU, NP), dtype=jnp.float32).at[user_ids, prop_ids].set(dist)
    info_nce_loss = multi_pos_info_nce(dist_matrix, T, tau=TEMP, col_mask=present_p.astype(jnp.float32))
    hinge_loss = pairwise_positive_ranking_loss(dist_matrix, M, num_users=U)
    ortho_loss = jnp.mean(jnp.abs(u_emb.T @ p_emb))
    return info_nce_loss + hinge_loss + ortho_loss * LAMBDA_ORTHO

if __name__ == "__main__":
    import jax
    _d = setup_inputs()
    print(jax.jit(kernel)(*tuple(_d.values())))

</pallas_src>

<mosaic_0001>
#map = affine_map<(d0, d1) -> (0)>
module attributes {stable_mosaic.version = 14 : i64} {
  func.func @_sc_dedup(%arg0: i32, %arg1: i32, %arg2: memref<1024xi32, #tpu.memory_space<hbm>>, %arg3: memref<1024xi32, #tpu.memory_space<hbm>>, %arg4: memref<1024xf32, #tpu.memory_space<hbm>>, %arg5: memref<1024xi32, #tpu.memory_space<vmem>>, %arg6: memref<1024xi32, #tpu.memory_space<vmem>>, %arg7: memref<65536xi32, #tpu.memory_space<vmem>>, %arg8: memref<1024xf32, #tpu.memory_space<vmem>>) attributes {dimension_semantics = [#tpu.dimension_semantics<core_parallel>, #tpu.dimension_semantics<subcore_parallel>], iteration_bounds = array<i64: 2, 16>, scalar_prefetch = 0 : i64, scratch_operands = 4 : i64, tpu.core_type = #tpu.core_type<sc_vector_subcore>, window_params = [{transform_indices = #map}, {transform_indices = #map}, {transform_indices = #map}]} {
    %iota3A = tpu.iota {dimensions = array<i32: 0>} : vector<16xi32>
    %eq3A = arith.constant 0 : i32
    %eq3A_0 = arith.cmpi eq, %arg0, %eq3A : i32
    %eq3A_1 = arith.constant 0 : i32
    %eq3A_2 = arith.cmpi eq, %arg1, %eq3A_1 : i32
    %and3A = arith.andi %eq3A_0, %eq3A_2 : i1
    %convert_element_type3A = arith.extui %and3A : i1 to i32
    %cond3A = arith.constant 0 : i32
    %cond3A_3 = arith.cmpi ne, %convert_element_type3A, %cond3A : i32
    scf.if %cond3A_3 {
      "tpu.region"() ({
        %run_scoped3A = tpu.sem_alloc : memref<!tpu.dma_semaphore, #tpu.memory_space<semaphore_mem>>
        tpu.enqueue_dma source(%arg2 : memref<1024xi32, #tpu.memory_space<hbm>>) target(%arg5 : memref<1024xi32, #tpu.memory_space<vmem>>) target_semaphore(%run_scoped3A : memref<!tpu.dma_semaphore, #tpu.memory_space<semaphore_mem>>)
        tpu.wait_dma2 semaphore(%run_scoped3A : memref<!tpu.dma_semaphore, #tpu.memory_space<semaphore_mem>>) src(%arg2 : memref<1024xi32, #tpu.memory_space<hbm>>) dst(%arg5 : memref<1024xi32, #tpu.memory_space<vmem>>)
        tpu.yield
      }) : () -> ()
      "tpu.region"() ({
        %run_scoped3A = tpu.sem_alloc : memref<!tpu.dma_semaphore, #tpu.memory_space<semaphore_mem>>
        tpu.enqueue_dma source(%arg3 : memref<1024xi32, #tpu.memory_space<hbm>>) target(%arg6 : memref<1024xi32, #tpu.memory_space<vmem>>) target_semaphore(%run_scoped3A : memref<!tpu.dma_semaphore, #tpu.memory_space<semaphore_mem>>)
        tpu.wait_dma2 semaphore(%run_scoped3A : memref<!tpu.dma_semaphore, #tpu.memory_space<semaphore_mem>>) src(%arg3 : memref<1024xi32, #tpu.memory_space<hbm>>) dst(%arg6 : memref<1024xi32, #tpu.memory_space<vmem>>)
        tpu.yield
      }) : () -> ()
      %scan3A = arith.constant 0 : i32
      %scan3A_4 = arith.constant 0 : i32
      %scan3A_5 = arith.constant 64 : i32
      %scan3A_6 = arith.addi %scan3A_4, %scan3A_5 : i32
      %scan3A_7 = arith.constant 1 : i32
      scf.for %scan3A_15 = %scan3A_4 to %scan3A_6 step %scan3A_7  : i32 {
        %mul3A = arith.constant 16 : i32
        %mul3A_16 = arith.muli %scan3A_15, %mul3A : i32
        %get3A = arith.index_cast %mul3A_16 : i32 to index
        %get3A_17 = tpu.vector_load %arg5[%get3A] {strides = array<i32>} : memref<1024xi32, #tpu.memory_space<vmem>>, vector<16xi32>,
        %get3A_18 = arith.index_cast %mul3A_16 : i32 to index
        %get3A_19 = tpu.vector_load %arg6[%get3A_18] {strides = array<i32>} : memref<1024xi32, #tpu.memory_space<vmem>>, vector<16xi32>,
        %mul3A_20 = arith.constant 512 : i32
        %mul3A_21 = vector.broadcast %mul3A_20 : i32 to vector<16xi32>
        %mul3A_22 = arith.muli %get3A_17, %mul3A_21 : vector<16xi32>
        %add3A = arith.addi %mul3A_22, %get3A_19 : vector<16xi32>
        %add3A_23 = vector.broadcast %mul3A_16 : i32 to vector<16xi32>
        %add3A_24 = arith.addi %iota3A, %add3A_23 : vector<16xi32>
        tpu.vector_store_idx %arg7[%add3A], %add3A_24 : memref<65536xi32, #tpu.memory_space<vmem>>[vector<16xi32>], vector<16xi32>,
      }
      %scan3A_8 = arith.constant 64 : i32
      %scan3A_9 = arith.constant 0 : i32
      %scan3A_10 = arith.constant 0 : i32
      %scan3A_11 = arith.constant 64 : i32
      %scan3A_12 = arith.addi %scan3A_10, %scan3A_11 : i32
      %scan3A_13 = arith.constant 1 : i32
      scf.for %scan3A_15 = %scan3A_10 to %scan3A_12 step %scan3A_13  : i32 {
        %mul3A = arith.constant 16 : i32
        %mul3A_16 = arith.muli %scan3A_15, %mul3A : i32
        %get3A = arith.index_cast %mul3A_16 : i32 to index
        %get3A_17 = tpu.vector_load %arg5[%get3A] {strides = array<i32>} : memref<1024xi32, #tpu.memory_space<vmem>>, vector<16xi32>,
        %get3A_18 = arith.index_cast %mul3A_16 : i32 to index
        %get3A_19 = tpu.vector_load %arg6[%get3A_18] {strides = array<i32>} : memref<1024xi32, #tpu.memory_space<vmem>>, vector<16xi32>,
        %mul3A_20 = arith.constant 512 : i32
        %mul3A_21 = vector.broadcast %mul3A_20 : i32 to vector<16xi32>
        %mul3A_22 = arith.muli %get3A_17, %mul3A_21 : vector<16xi32>
        %add3A = arith.addi %mul3A_22, %get3A_19 : vector<16xi32>
        %gather3A = tpu.vector_load_idx %arg7[%add3A] : memref<65536xi32, #tpu.memory_space<vmem>>[vector<16xi32>], vector<16xi32>,
        %add3A_23 = vector.broadcast %mul3A_16 : i32 to vector<16xi32>
        %add3A_24 = arith.addi %iota3A, %add3A_23 : vector<16xi32>
        %eq3A_25 = arith.cmpi eq, %gather3A, %add3A_24 : vector<16xi32>
        %jit3A = arith.constant 1.000000e+00 : f32
        %jit3A_26 = arith.constant 0.000000e+00 : f32
        %broadcast_in_dim3A = vector.broadcast %jit3A : f32 to vector<16xf32>
        %broadcast_in_dim3A_27 = vector.broadcast %jit3A_26 : f32 to vector<16xf32>
        %select_n3A = arith.select %eq3A_25, %broadcast_in_dim3A, %broadcast_in_dim3A_27 : vector<16xi1>, vector<16xf32>
        %swap3A = arith.index_cast %mul3A_16 : i32 to index
        %swap3A_28 = tpu.vector_load %arg8[%swap3A] {strides = array<i32>} : memref<1024xf32, #tpu.memory_space<vmem>>, vector<16xf32>,
        tpu.vector_store %arg8[%swap3A], %select_n3A {strides = array<i32>} : memref<1024xf32, #tpu.memory_space<vmem>>, vector<16xf32>,
      }
      %scan3A_14 = arith.constant 64 : i32
      "tpu.region"() ({
        %run_scoped3A = tpu.sem_alloc : memref<!tpu.dma_semaphore, #tpu.memory_space<semaphore_mem>>
        tpu.enqueue_dma source(%arg8 : memref<1024xf32, #tpu.memory_space<vmem>>) target(%arg4 : memref<1024xf32, #tpu.memory_space<hbm>>) target_semaphore(%run_scoped3A : memref<!tpu.dma_semaphore, #tpu.memory_space<semaphore_mem>>)
        tpu.wait_dma2 semaphore(%run_scoped3A : memref<!tpu.dma_semaphore, #tpu.memory_space<semaphore_mem>>) src(%arg8 : memref<1024xf32, #tpu.memory_space<vmem>>) dst(%arg4 : memref<1024xf32, #tpu.memory_space<hbm>>)
        tpu.yield
      }) : () -> ()
    } else {
    }
    return
  }
}

module attributes {stable_mosaic.version = 14 : i64} {
  func.func @_tca_body(%arg0: memref<1024x128xf32, #tpu.memory_space<vmem>>, %arg1: memref<1024x128xf32, #tpu.memory_space<vmem>>, %arg2: memref<1x1024xf32, #tpu.memory_space<vmem>>, %arg3: memref<1x1024xi32, #tpu.memory_space<vmem>>, %arg4: memref<1024x1xf32, #tpu.memory_space<vmem>>, %arg5: memref<1x1024xf32, #tpu.memory_space<vmem>>, %arg6: memref<1024x1xf32, #tpu.memory_space<vmem>>, %arg7: memref<1024x1xi32, #tpu.memory_space<vmem>>, %arg8: memref<1x1xf32, #tpu.memory_space<vmem>>) attributes {dimension_semantics = [], scalar_prefetch = 0 : i64, scratch_operands = 0 : i64, tpu.core_type = #tpu.core_type<tc>} {
    %get3A = arith.constant 0 : index
    %get3A_0 = arith.constant 0 : index
    %get3A_1 = vector.load %arg0[%get3A, %get3A_0] : memref<1024x128xf32, #tpu.memory_space<vmem>>, vector<1024x128xf32>
    %get3A_2 = arith.constant 0 : index
    %get3A_3 = arith.constant 0 : index
    %get3A_4 = vector.load %arg1[%get3A_2, %get3A_3] : memref<1024x128xf32, #tpu.memory_space<vmem>>, vector<1024x128xf32>
    %sub3A = arith.subf %get3A_1, %get3A_4 : vector<1024x128xf32>
    %add3A = arith.constant 9.99999997E-7 : f32
    %add3A_5 = vector.broadcast %add3A : f32 to vector<1024x128xf32>
    %add3A_6 = arith.addf %sub3A, %add3A_5 : vector<1024x128xf32>
    %mul3A = arith.mulf %add3A_6, %add3A_6 : vector<1024x128xf32>
    %reduce_sum3A = arith.constant dense<0.000000e+00> : vector<1024xf32>
    %reduce_sum3A_7 = vector.multi_reduction <add>, %mul3A, %reduce_sum3A [1] : vector<1024x128xf32> to vector<1024xf32>
    %broadcast_in_dim3A = vector.shape_cast %reduce_sum3A_7 : vector<1024xf32> to vector<1024x1xf32>
    %sqrt3A = math.sqrt %broadcast_in_dim3A : vector<1024x1xf32>
    %swap3A = arith.constant 0 : index
    %swap3A_8 = arith.constant 0 : index
    %swap3A_9 = vector.load %arg4[%swap3A, %swap3A_8] : memref<1024x1xf32, #tpu.memory_space<vmem>>, vector<1024x1xf32>
    tpu.vector_store %arg4[%swap3A, %swap3A_8], %sqrt3A {strides = array<i32>} : memref<1024x1xf32, #tpu.memory_space<vmem>>, vector<1024x1xf32>,
    %transpose3A = tpu.transpose %sqrt3A, [1, 0] : vector<1024x1xf32> -> vector<1x1024xf32>
    %swap3A_10 = arith.constant 0 : index
    %swap3A_11 = arith.constant 0 : index
    %swap3A_12 = vector.load %arg5[%swap3A_10, %swap3A_11] : memref<1x1024xf32, #tpu.memory_space<vmem>>, vector<1x1024xf32>
    tpu.vector_store %arg5[%swap3A_10, %swap3A_11], %transpose3A {strides = array<i32>} : memref<1x1024xf32, #tpu.memory_space<vmem>>, vector<1x1024xf32>,
    %get3A_13 = arith.constant 0 : index
    %get3A_14 = arith.constant 0 : index
    %get3A_15 = vector.load %arg2[%get3A_13, %get3A_14] : memref<1x1024xf32, #tpu.memory_space<vmem>>, vector<1x1024xf32>
    %transpose3A_16 = tpu.transpose %get3A_15, [1, 0] : vector<1x1024xf32> -> vector<1024x1xf32>
    %swap3A_17 = arith.constant 0 : index
    %swap3A_18 = arith.constant 0 : index
    %swap3A_19 = vector.load %arg6[%swap3A_17, %swap3A_18] : memref<1024x1xf32, #tpu.memory_space<vmem>>, vector<1024x1xf32>
    tpu.vector_store %arg6[%swap3A_17, %swap3A_18], %transpose3A_16 {strides = array<i32>} : memref<1024x1xf32, #tpu.memory_space<vmem>>, vector<1024x1xf32>,
    %get3A_20 = arith.constant 0 : index
    %get3A_21 = arith.constant 0 : index
    %get3A_22 = vector.load %arg3[%get3A_20, %get3A_21] : memref<1x1024xi32, #tpu.memory_space<vmem>>, vector<1x1024xi32>
    %transpose3A_23 = tpu.transpose %get3A_22, [1, 0] : vector<1x1024xi32> -> vector<1024x1xi32>
    %swap3A_24 = arith.constant 0 : index
    %swap3A_25 = arith.constant 0 : index
    %swap3A_26 = vector.load %arg7[%swap3A_24, %swap3A_25] : memref<1024x1xi32, #tpu.memory_space<vmem>>, vector<1024x1xi32>
    tpu.vector_store %arg7[%swap3A_24, %swap3A_25], %transpose3A_23 {strides = array<i32>} : memref<1024x1xi32, #tpu.memory_space<vmem>>, vector<1024x1xi32>,
    %get3A_27 = arith.constant 0 : index
    %get3A_28 = arith.constant 0 : index
    %get3A_29 = vector.load %arg0[%get3A_27, %get3A_28] : memref<1024x128xf32, #tpu.memory_space<vmem>>, vector<1024x128xf32>
    %get3A_30 = arith.constant 0 : index
    %get3A_31 = arith.constant 0 : index
    %get3A_32 = vector.load %arg1[%get3A_30, %get3A_31] : memref<1024x128xf32, #tpu.memory_space<vmem>>, vector<1024x128xf32>
    %dot_general3A = arith.constant dense<0.000000e+00> : vector<128x128xf32>
    %dot_general3A_33 = tpu.matmul %get3A_29, %get3A_32, %dot_general3A {dimension_numbers = #tpu.dot_dimension_numbers<[0], [0], [1], [1], [0, 1, 1, 1], [], []>, transpose_lhs_hint = false} : vector<1024x128xf32>, vector<1024x128xf32>, vector<128x128xf32> -> vector<128x128xf32>
    %abs3A = math.absf %dot_general3A_33 : vector<128x128xf32>
    %reduce_sum3A_34 = vector.shape_cast %abs3A : vector<128x128xf32> to vector<1x128x128xf32>
    %reduce_sum3A_35 = arith.constant dense<0.000000e+00> : vector<1xf32>
    %reduce_sum3A_36 = vector.multi_reduction <add>, %reduce_sum3A_34, %reduce_sum3A_35 [1, 2] : vector<1x128x128xf32> to vector<1xf32>
    %reduce_sum3A_37 = vector.shape_cast %reduce_sum3A_36 : vector<1xf32> to vector<1x1x1xf32>
    %reduce_sum3A_38 = vector.extract %reduce_sum3A_37[0, 0, 0] : f32 from vector<1x1x1xf32>
    %div3A = arith.constant 1.638400e+04 : f32
    %div3A_39 = arith.divf %reduce_sum3A_38, %div3A : f32
    %reshape3A = vector.broadcast %div3A_39 : f32 to vector<1x1xf32>
    %swap3A_40 = arith.constant 0 : index
    %swap3A_41 = arith.constant 0 : index
    %swap3A_42 = vector.load %arg8[%swap3A_40, %swap3A_41] : memref<1x1xf32, #tpu.memory_space<vmem>>, vector<1x1xf32>
    tpu.vector_store %arg8[%swap3A_40, %swap3A_41], %reshape3A {strides = array<i32>} : memref<1x1xf32, #tpu.memory_space<vmem>>, vector<1x1xf32>,
    return
  }
}

module attributes {stable_mosaic.version = 14 : i64} {
  func.func @_tcb_body(%arg0: memref<1x1024xf32, #tpu.memory_space<vmem>>, %arg1: memref<1x1024xi32, #tpu.memory_space<vmem>>, %arg2: memref<1x1024xi32, #tpu.memory_space<vmem>>, %arg3: memref<1x1024xf32, #tpu.memory_space<vmem>>, %arg4: memref<1024x1xf32, #tpu.memory_space<vmem>>, %arg5: memref<1x1024xf32, #tpu.memory_space<vmem>>, %arg6: memref<1024x1xf32, #tpu.memory_space<vmem>>, %arg7: memref<1024x1xi32, #tpu.memory_space<vmem>>, %arg8: memref<1x1xf32, #tpu.memory_space<vmem>>, %arg9: memref<1x1xf32, #tpu.memory_space<vmem>>, %arg10: memref<1024x1xf32, #tpu.memory_space<vmem>>) attributes {dimension_semantics = [], scalar_prefetch = 0 : i64, scratch_operands = 1 : i64, tpu.core_type = #tpu.core_type<tc>} {
    %get3A = arith.constant 0 : index
    %get3A_0 = arith.constant 0 : index
    %get3A_1 = vector.load %arg0[%get3A, %get3A_0] : memref<1x1024xf32, #tpu.memory_space<vmem>>, vector<1x1024xf32>
    %get3A_2 = arith.constant 0 : index
    %get3A_3 = arith.constant 0 : index
    %get3A_4 = vector.load %arg1[%get3A_2, %get3A_3] : memref<1x1024xi32, #tpu.memory_space<vmem>>, vector<1x1024xi32>
    %get3A_5 = arith.constant 0 : index
    %get3A_6 = arith.constant 0 : index
    %get3A_7 = vector.load %arg2[%get3A_5, %get3A_6] : memref<1x1024xi32, #tpu.memory_space<vmem>>, vector<1x1024xi32>
    %get3A_8 = arith.constant 0 : index
    %get3A_9 = arith.constant 0 : index
    %get3A_10 = vector.load %arg3[%get3A_8, %get3A_9] : memref<1x1024xf32, #tpu.memory_space<vmem>>, vector<1x1024xf32>
    %get3A_11 = arith.constant 0 : index
    %get3A_12 = arith.constant 0 : index
    %get3A_13 = vector.load %arg5[%get3A_11, %get3A_12] : memref<1x1024xf32, #tpu.memory_space<vmem>>, vector<1x1024xf32>
    %transpose3A = tpu.transpose %get3A_10, [1, 0] : vector<1x1024xf32> -> vector<1024x1xf32>
    %swap3A = arith.constant 0 : index
    %swap3A_14 = arith.constant 0 : index
    %swap3A_15 = vector.load %arg10[%swap3A, %swap3A_14] : memref<1024x1xf32, #tpu.memory_space<vmem>>, vector<1024x1xf32>
    tpu.vector_store %arg10[%swap3A, %swap3A_14], %transpose3A {strides = array<i32>} : memref<1024x1xf32, #tpu.memory_space<vmem>>, vector<1024x1xf32>,
    %iota3A = tpu.iota {dimensions = array<i32: 0>} : vector<128x1024xi32>
    %eq3A = vector.broadcast %get3A_4 : vector<1x1024xi32> to vector<128x1024xi32>
    %eq3A_16 = arith.cmpi eq, %iota3A, %eq3A : vector<128x1024xi32>
    %convert_element_type3A = arith.extui %eq3A_16 : vector<128x1024xi1> to vector<128x1024xi32>
    %convert_element_type3A_17 = arith.sitofp %convert_element_type3A : vector<128x1024xi32> to vector<128x1024xf32>
    %reduce_max3A = arith.constant dense<0xFF800000> : vector<128xf32>
    %reduce_max3A_18 = vector.multi_reduction <maximumf>, %convert_element_type3A_17, %reduce_max3A [1] : vector<128x1024xf32> to vector<128xf32>
    %broadcast_in_dim3A = vector.shape_cast %reduce_max3A_18 : vector<128xf32> to vector<128x1xf32>
    %reduce_sum3A = vector.shape_cast %broadcast_in_dim3A : vector<128x1xf32> to vector<1x128x1xf32>
    %reduce_sum3A_19 = arith.constant dense<0.000000e+00> : vector<1xf32>
    %reduce_sum3A_20 = vector.multi_reduction <add>, %reduce_sum3A, %reduce_sum3A_19 [1, 2] : vector<1x128x1xf32> to vector<1xf32>
    %reduce_sum3A_21 = vector.shape_cast %reduce_sum3A_20 : vector<1xf32> to vector<1x1x1xf32>
    %reduce_sum3A_22 = vector.extract %reduce_sum3A_21[0, 0, 0] : f32 from vector<1x1x1xf32>
    %iota3A_23 = tpu.iota {dimensions = array<i32: 0>} : vector<512x1024xi32>
    %eq3A_24 = vector.broadcast %get3A_7 : vector<1x1024xi32> to vector<512x1024xi32>
    %eq3A_25 = arith.cmpi eq, %iota3A_23, %eq3A_24 : vector<512x1024xi32>
    %convert_element_type3A_26 = arith.extui %eq3A_25 : vector<512x1024xi1> to vector<512x1024xi32>
    %convert_element_type3A_27 = arith.sitofp %convert_element_type3A_26 : vector<512x1024xi32> to vector<512x1024xf32>
    %reduce_max3A_28 = arith.constant dense<0xFF800000> : vector<512xf32>
    %reduce_max3A_29 = vector.multi_reduction <maximumf>, %convert_element_type3A_27, %reduce_max3A_28 [1] : vector<512x1024xf32> to vector<512xf32>
    %reduce_sum3A_30 = vector.shape_cast %reduce_max3A_29 : vector<512xf32> to vector<1x512xf32>
    %reduce_sum3A_31 = arith.constant dense<0.000000e+00> : vector<1xf32>
    %reduce_sum3A_32 = vector.multi_reduction <add>, %reduce_sum3A_30, %reduce_sum3A_31 [1] : vector<1x512xf32> to vector<1xf32>
    %reduce_sum3A_33 = vector.shape_cast %reduce_sum3A_32 : vector<1xf32> to vector<1x1xf32>
    %reduce_sum3A_34 = vector.extract %reduce_sum3A_33[0, 0] : f32 from vector<1x1xf32>
    %gt3A = arith.constant 0.000000e+00 : f32
    %gt3A_35 = vector.broadcast %gt3A : f32 to vector<1x1024xf32>
    %gt3A_36 = arith.cmpf ogt, %get3A_1, %gt3A_35 : vector<1x1024xf32>
    %convert_element_type3A_37 = arith.extui %gt3A_36 : vector<1x1024xi1> to vector<1x1024xi32>
    %convert_element_type3A_38 = arith.sitofp %convert_element_type3A_37 : vector<1x1024xi32> to vector<1x1024xf32>
    %mul3A = arith.mulf %get3A_10, %convert_element_type3A_38 : vector<1x1024xf32>
    %get3A_39 = arith.constant 0 : index
    %get3A_40 = arith.constant 0 : index
    %get3A_41 = vector.load %arg7[%get3A_39, %get3A_40] : memref<1024x1xi32, #tpu.memory_space<vmem>>, vector<128x1xi32>
    %get3A_42 = arith.constant 0 : index
    %get3A_43 = arith.constant 0 : index
    %get3A_44 = vector.load %arg6[%get3A_42, %get3A_43] : memref<1024x1xf32, #tpu.memory_space<vmem>>, vector<128x1xf32>
    %get3A_45 = arith.constant 0 : index
    %get3A_46 = arith.constant 0 : index
    %get3A_47 = vector.load %arg4[%get3A_45, %get3A_46] : memref<1024x1xf32, #tpu.memory_space<vmem>>, vector<128x1xf32>
    %get3A_48 = arith.constant 0 : index
    %get3A_49 = arith.constant 0 : index
    %get3A_50 = vector.load %arg10[%get3A_48, %get3A_49] : memref<1024x1xf32, #tpu.memory_space<vmem>>, vector<128x1xf32>
    %iota3A_51 = tpu.iota {dimensions = array<i32: 0>} : vector<128x1024xi32>
    %iota3A_52 = tpu.iota {dimensions = array<i32: 1>} : vector<128x1024xi32>
    %sub3A = vector.broadcast %get3A_1 : vector<1x1024xf32> to vector<128x1024xf32>
    %sub3A_53 = vector.broadcast %get3A_44 : vector<128x1xf32> to vector<128x1024xf32>
    %sub3A_54 = arith.subf %sub3A, %sub3A_53 : vector<128x1024xf32>
    %sign3A = tpu.bitcast %sub3A_54 : vector<128x1024xf32> -> vector<128x1024xi32>
    %sign3A_55 = arith.constant -2147483648 : i32
    %sign3A_56 = vector.broadcast %sign3A_55 : i32 to vector<128x1024xi32>
    %sign3A_57 = arith.andi %sign3A, %sign3A_56 : vector<128x1024xi32>
    %sign3A_58 = arith.constant 1065353216 : i32
    %sign3A_59 = vector.broadcast %sign3A_58 : i32 to vector<128x1024xi32>
    %sign3A_60 = arith.ori %sign3A_59, %sign3A_57 : vector<128x1024xi32>
    %sign3A_61 = tpu.bitcast %sign3A_60 : vector<128x1024xi32> -> vector<128x1024xf32>
    %sign3A_62 = math.absf %sub3A_54 : vector<128x1024xf32>
    %sign3A_63 = arith.constant 0.000000e+00 : f32
    %sign3A_64 = vector.broadcast %sign3A_63 : f32 to vector<128x1024xf32>
    %sign3A_65 = arith.cmpf ogt, %sign3A_62, %sign3A_64 : vector<128x1024xf32>
    %sign3A_66 = arith.select %sign3A_65, %sign3A_61, %sub3A_54 : vector<128x1024xi1>, vector<128x1024xf32>
    %sub3A_67 = vector.broadcast %get3A_47 : vector<128x1xf32> to vector<128x1024xf32>
    %sub3A_68 = vector.broadcast %get3A_13 : vector<1x1024xf32> to vector<128x1024xf32>
    %sub3A_69 = arith.subf %sub3A_67, %sub3A_68 : vector<128x1024xf32>
    %mul3A_70 = arith.mulf %sign3A_66, %sub3A_69 : vector<128x1024xf32>
    %add3A = arith.constant 1.000000e-01 : f32
    %add3A_71 = vector.broadcast %add3A : f32 to vector<128x1024xf32>
    %add3A_72 = arith.addf %mul3A_70, %add3A_71 : vector<128x1024xf32>
    %max3A = arith.constant 0.000000e+00 : f32
    %max3A_73 = vector.broadcast %max3A : f32 to vector<128x1024xf32>
    %max3A_74 = arith.maximumf %add3A_72, %max3A_73 : vector<128x1024xf32>
    %eq3A_75 = vector.broadcast %get3A_41 : vector<128x1xi32> to vector<128x1024xi32>
    %eq3A_76 = vector.broadcast %get3A_4 : vector<1x1024xi32> to vector<128x1024xi32>
    %eq3A_77 = arith.cmpi eq, %eq3A_75, %eq3A_76 : vector<128x1024xi32>
    %gt3A_78 = arith.cmpi sgt, %iota3A_52, %iota3A_51 : vector<128x1024xi32>
    %and3A = arith.andi %eq3A_77, %gt3A_78 : vector<128x1024xi1>
    %ne3A = vector.broadcast %get3A_44 : vector<128x1xf32> to vector<128x1024xf32>
    %ne3A_79 = vector.broadcast %get3A_1 : vector<1x1024xf32> to vector<128x1024xf32>
    %ne3A_80 = arith.cmpf one, %ne3A, %ne3A_79 : vector<128x1024xf32>
    %and3A_81 = arith.andi %and3A, %ne3A_80 : vector<128x1024xi1>
    %convert_element_type3A_82 = arith.extui %and3A_81 : vector<128x1024xi1> to vector<128x1024xi32>
    %convert_element_type3A_83 = arith.sitofp %convert_element_type3A_82 : vector<128x1024xi32> to vector<128x1024xf32>
    %mul3A_84 = arith.mulf %max3A_74, %convert_element_type3A_83 : vector<128x1024xf32>
    %gt3A_85 = arith.constant 0.000000e+00 : f32
    %gt3A_86 = vector.broadcast %gt3A_85 : f32 to vector<128x1xf32>
    %gt3A_87 = arith.cmpf ogt, %get3A_44, %gt3A_86 : vector<128x1xf32>
    %convert_element_type3A_88 = arith.extui %gt3A_87 : vector<128x1xi1> to vector<128x1xi32>
    %convert_element_type3A_89 = arith.sitofp %convert_element_type3A_88 : vector<128x1xi32> to vector<128x1xf32>
    %mul3A_90 = arith.mulf %get3A_50, %convert_element_type3A_89 : vector<128x1xf32>
    %mul3A_91 = vector.broadcast %mul3A_90 : vector<128x1xf32> to vector<128x1024xf32>
    %mul3A_92 = arith.mulf %mul3A_84, %mul3A_91 : vector<128x1024xf32>
    %mul3A_93 = vector.broadcast %mul3A : vector<1x1024xf32> to vector<128x1024xf32>
    %mul3A_94 = arith.mulf %mul3A_92, %mul3A_93 : vector<128x1024xf32>
    %reduce_sum3A_95 = vector.shape_cast %mul3A_94 : vector<128x1024xf32> to vector<1x128x1024xf32>
    %reduce_sum3A_96 = arith.constant dense<0.000000e+00> : vector<1xf32>
    %reduce_sum3A_97 = vector.multi_reduction <add>, %reduce_sum3A_95, %reduce_sum3A_96 [1, 2] : vector<1x128x1024xf32> to vector<1xf32>
    %reduce_sum3A_98 = vector.shape_cast %reduce_sum3A_97 : vector<1xf32> to vector<1x1x1xf32>
    %reduce_sum3A_99 = vector.extract %reduce_sum3A_98[0, 0, 0] : f32 from vector<1x1x1xf32>
    %add3A_100 = arith.constant 0.000000e+00 : f32
    %add3A_101 = arith.addf %add3A_100, %reduce_sum3A_99 : f32
    %get3A_102 = arith.constant 128 : index
    %get3A_103 = arith.constant 0 : index
    %get3A_104 = vector.load %arg7[%get3A_102, %get3A_103] : memref<1024x1xi32, #tpu.memory_space<vmem>>, vector<128x1xi32>
    %get3A_105 = arith.constant 128 : index
    %get3A_106 = arith.constant 0 : index
    %get3A_107 = vector.load %arg6[%get3A_105, %get3A_106] : memref<1024x1xf32, #tpu.memory_space<vmem>>, vector<128x1xf32>
    %get3A_108 = arith.constant 128 : index
    %get3A_109 = arith.constant 0 : index
    %get3A_110 = vector.load %arg4[%get3A_108, %get3A_109] : memref<1024x1xf32, #tpu.memory_space<vmem>>, vector<128x1xf32>
    %get3A_111 = arith.constant 128 : index
    %get3A_112 = arith.constant 0 : index
    %get3A_113 = vector.load %arg10[%get3A_111, %get3A_112] : memref<1024x1xf32, #tpu.memory_space<vmem>>, vector<128x1xf32>
    %slice3A = vector.extract_strided_slice %get3A_1 {offsets = [0, 128], sizes = [1, 896], strides = [1, 1]} : vector<1x1024xf32> to vector<1x896xf32>
    %slice3A_114 = vector.extract_strided_slice %get3A_4 {offsets = [0, 128], sizes = [1, 896], strides = [1, 1]} : vector<1x1024xi32> to vector<1x896xi32>
    %slice3A_115 = vector.extract_strided_slice %get3A_13 {offsets = [0, 128], sizes = [1, 896], strides = [1, 1]} : vector<1x1024xf32> to vector<1x896xf32>
    %slice3A_116 = vector.extract_strided_slice %mul3A {offsets = [0, 128], sizes = [1, 896], strides = [1, 1]} : vector<1x1024xf32> to vector<1x896xf32>
    %iota3A_117 = tpu.iota {dimensions = array<i32: 0>} : vector<128x896xi32>
    %iota3A_118 = tpu.iota {dimensions = array<i32: 1>} : vector<128x896xi32>
    %sub3A_119 = vector.broadcast %slice3A : vector<1x896xf32> to vector<128x896xf32>
    %sub3A_120 = vector.broadcast %get3A_107 : vector<128x1xf32> to vector<128x896xf32>
    %sub3A_121 = arith.subf %sub3A_119, %sub3A_120 : vector<128x896xf32>
    %sign3A_122 = tpu.bitcast %sub3A_121 : vector<128x896xf32> -> vector<128x896xi32>
    %sign3A_123 = arith.constant -2147483648 : i32
    %sign3A_124 = vector.broadcast %sign3A_123 : i32 to vector<128x896xi32>
    %sign3A_125 = arith.andi %sign3A_122, %sign3A_124 : vector<128x896xi32>
    %sign3A_126 = arith.constant 1065353216 : i32
    %sign3A_127 = vector.broadcast %sign3A_126 : i32 to vector<128x896xi32>
    %sign3A_128 = arith.ori %sign3A_127, %sign3A_125 : vector<128x896xi32>
    %sign3A_129 = tpu.bitcast %sign3A_128 : vector<128x896xi32> -> vector<128x896xf32>
    %sign3A_130 = math.absf %sub3A_121 : vector<128x896xf32>
    %sign3A_131 = arith.constant 0.000000e+00 : f32
    %sign3A_132 = vector.broadcast %sign3A_131 : f32 to vector<128x896xf32>
    %sign3A_133 = arith.cmpf ogt, %sign3A_130, %sign3A_132 : vector<128x896xf32>
    %sign3A_134 = arith.select %sign3A_133, %sign3A_129, %sub3A_121 : vector<128x896xi1>, vector<128x896xf32>
    %sub3A_135 = vector.broadcast %get3A_110 : vector<128x1xf32> to vector<128x896xf32>
    %sub3A_136 = vector.broadcast %slice3A_115 : vector<1x896xf32> to vector<128x896xf32>
    %sub3A_137 = arith.subf %sub3A_135, %sub3A_136 : vector<128x896xf32>
    %mul3A_138 = arith.mulf %sign3A_134, %sub3A_137 : vector<128x896xf32>
    %add3A_139 = arith.constant 1.000000e-01 : f32
    %add3A_140 = vector.broadcast %add3A_139 : f32 to vector<128x896xf32>
    %add3A_141 = arith.addf %mul3A_138, %add3A_140 : vector<128x896xf32>
    %max3A_142 = arith.constant 0.000000e+00 : f32
    %max3A_143 = vector.broadcast %max3A_142 : f32 to vector<128x896xf32>
    %max3A_144 = arith.maximumf %add3A_141, %max3A_143 : vector<128x896xf32>
    %eq3A_145 = vector.broadcast %get3A_104 : vector<128x1xi32> to vector<128x896xi32>
    %eq3A_146 = vector.broadcast %slice3A_114 : vector<1x896xi32> to vector<128x896xi32>
    %eq3A_147 = arith.cmpi eq, %eq3A_145, %eq3A_146 : vector<128x896xi32>
    %gt3A_148 = arith.cmpi sgt, %iota3A_118, %iota3A_117 : vector<128x896xi32>
    %and3A_149 = arith.andi %eq3A_147, %gt3A_148 : vector<128x896xi1>
    %ne3A_150 = vector.broadcast %get3A_107 : vector<128x1xf32> to vector<128x896xf32>
    %ne3A_151 = vector.broadcast %slice3A : vector<1x896xf32> to vector<128x896xf32>
    %ne3A_152 = arith.cmpf one, %ne3A_150, %ne3A_151 : vector<128x896xf32>
    %and3A_153 = arith.andi %and3A_149, %ne3A_152 : vector<128x896xi1>
    %convert_element_type3A_154 = arith.extui %and3A_153 : vector<128x896xi1> to vector<128x896xi32>
    %convert_element_type3A_155 = arith.sitofp %convert_element_type3A_154 : vector<128x896xi32> to vector<128x896xf32>
    %mul3A_156 = arith.mulf %max3A_144, %convert_element_type3A_155 : vector<128x896xf32>
    %gt3A_157 = arith.constant 0.000000e+00 : f32
    %gt3A_158 = vector.broadcast %gt3A_157 : f32 to vector<128x1xf32>
    %gt3A_159 = arith.cmpf ogt, %get3A_107, %gt3A_158 : vector<128x1xf32>
    %convert_element_type3A_160 = arith.extui %gt3A_159 : vector<128x1xi1> to vector<128x1xi32>
    %convert_element_type3A_161 = arith.sitofp %convert_element_type3A_160 : vector<128x1xi32> to vector<128x1xf32>
    %mul3A_162 = arith.mulf %get3A_113, %convert_element_type3A_161 : vector<128x1xf32>
    %mul3A_163 = vector.broadcast %mul3A_162 : vector<128x1xf32> to vector<128x896xf32>
    %mul3A_164 = arith.mulf %mul3A_156, %mul3A_163 : vector<128x896xf32>
    %mul3A_165 = vector.broadcast %slice3A_116 : vector<1x896xf32> to vector<128x896xf32>
    %mul3A_166 = arith.mulf %mul3A_164, %mul3A_165 : vector<128x896xf32>
    %reduce_sum3A_167 = vector.shape_cast %mul3A_166 : vector<128x896xf32> to vector<1x128x896xf32>
    %reduce_sum3A_168 = arith.constant dense<0.000000e+00> : vector<1xf32>
    %reduce_sum3A_169 = vector.multi_reduction <add>, %reduce_sum3A_167, %reduce_sum3A_168 [1, 2] : vector<1x128x896xf32> to vector<1xf32>
    %reduce_sum3A_170 = vector.shape_cast %reduce_sum3A_169 : vector<1xf32> to vector<1x1x1xf32>
    %reduce_sum3A_171 = vector.extract %reduce_sum3A_170[0, 0, 0] : f32 from vector<1x1x1xf32>
    %add3A_172 = arith.addf %add3A_101, %reduce_sum3A_171 : f32
    %get3A_173 = arith.constant 256 : index
    %get3A_174 = arith.constant 0 : index
    %get3A_175 = vector.load %arg7[%get3A_173, %get3A_174] : memref<1024x1xi32, #tpu.memory_space<vmem>>, vector<128x1xi32>
    %get3A_176 = arith.constant 256 : index
    %get3A_177 = arith.constant 0 : index
    %get3A_178 = vector.load %arg6[%get3A_176, %get3A_177] : memref<1024x1xf32, #tpu.memory_space<vmem>>, vector<128x1xf32>
    %get3A_179 = arith.constant 256 : index
    %get3A_180 = arith.constant 0 : index
    %get3A_181 = vector.load %arg4[%get3A_179, %get3A_180] : memref<1024x1xf32, #tpu.memory_space<vmem>>, vector<128x1xf32>
    %get3A_182 = arith.constant 256 : index
    %get3A_183 = arith.constant 0 : index
    %get3A_184 = vector.load %arg10[%get3A_182, %get3A_183] : memref<1024x1xf32, #tpu.memory_space<vmem>>, vector<128x1xf32>
    %slice3A_185 = vector.extract_strided_slice %get3A_1 {offsets = [0, 256], sizes = [1, 768], strides = [1, 1]} : vector<1x1024xf32> to vector<1x768xf32>
    %slice3A_186 = vector.extract_strided_slice %get3A_4 {offsets = [0, 256], sizes = [1, 768], strides = [1, 1]} : vector<1x1024xi32> to vector<1x768xi32>
    %slice3A_187 = vector.extract_strided_slice %get3A_13 {offsets = [0, 256], sizes = [1, 768], strides = [1, 1]} : vector<1x1024xf32> to vector<1x768xf32>
    %slice3A_188 = vector.extract_strided_slice %mul3A {offsets = [0, 256], sizes = [1, 768], strides = [1, 1]} : vector<1x1024xf32> to vector<1x768xf32>
    %iota3A_189 = tpu.iota {dimensions = array<i32: 0>} : vector<128x768xi32>
    %iota3A_190 = tpu.iota {dimensions = array<i32: 1>} : vector<128x768xi32>
    %sub3A_191 = vector.broadcast %slice3A_185 : vector<1x768xf32> to vector<128x768xf32>
    %sub3A_192 = vector.broadcast %get3A_178 : vector<128x1xf32> to vector<128x768xf32>
    %sub3A_193 = arith.subf %sub3A_191, %sub3A_192 : vector<128x768xf32>
    %sign3A_194 = tpu.bitcast %sub3A_193 : vector<128x768xf32> -> vector<128x768xi32>
    %sign3A_195 = arith.constant -2147483648 : i32
    %sign3A_196 = vector.broadcast %sign3A_195 : i32 to vector<128x768xi32>
    %sign3A_197 = arith.andi %sign3A_194, %sign3A_196 : vector<128x768xi32>
    %sign3A_198 = arith.constant 1065353216 : i32
    %sign3A_199 = vector.broadcast %sign3A_198 : i32 to vector<128x768xi32>
    %sign3A_200 = arith.ori %sign3A_199, %sign3A_197 : vector<128x768xi32>
    %sign3A_201 = tpu.bitcast %sign3A_200 : vector<128x768xi32> -> vector<128x768xf32>
    %sign3A_202 = math.absf %sub3A_193 : vector<128x768xf32>
    %sign3A_203 = arith.constant 0.000000e+00 : f32
    %sign3A_204 = vector.broadcast %sign3A_203 : f32 to vector<128x768xf32>
    %sign3A_205 = arith.cmpf ogt, %sign3A_202, %sign3A_204 : vector<128x768xf32>
    %sign3A_206 = arith.select %sign3A_205, %sign3A_201, %sub3A_193 : vector<128x768xi1>, vector<128x768xf32>
    %sub3A_207 = vector.broadcast %get3A_181 : vector<128x1xf32> to vector<128x768xf32>
    %sub3A_208 = vector.broadcast %slice3A_187 : vector<1x768xf32> to vector<128x768xf32>
    %sub3A_209 = arith.subf %sub3A_207, %sub3A_208 : vector<128x768xf32>
    %mul3A_210 = arith.mulf %sign3A_206, %sub3A_209 : vector<128x768xf32>
    %add3A_211 = arith.constant 1.000000e-01 : f32
    %add3A_212 = vector.broadcast %add3A_211 : f32 to vector<128x768xf32>
    %add3A_213 = arith.addf %mul3A_210, %add3A_212 : vector<128x768xf32>
    %max3A_214 = arith.constant 0.000000e+00 : f32
    %max3A_215 = vector.broadcast %max3A_214 : f32 to vector<128x768xf32>
    %max3A_216 = arith.maximumf %add3A_213, %max3A_215 : vector<128x768xf32>
    %eq3A_217 = vector.broadcast %get3A_175 : vector<128x1xi32> to vector<128x768xi32>
    %eq3A_218 = vector.broadcast %slice3A_186 : vector<1x768xi32> to vector<128x768xi32>
    %eq3A_219 = arith.cmpi eq, %eq3A_217, %eq3A_218 : vector<128x768xi32>
    %gt3A_220 = arith.cmpi sgt, %iota3A_190, %iota3A_189 : vector<128x768xi32>
    %and3A_221 = arith.andi %eq3A_219, %gt3A_220 : vector<128x768xi1>
    %ne3A_222 = vector.broadcast %get3A_178 : vector<128x1xf32> to vector<128x768xf32>
    %ne3A_223 = vector.broadcast %slice3A_185 : vector<1x768xf32> to vector<128x768xf32>
    %ne3A_224 = arith.cmpf one, %ne3A_222, %ne3A_223 : vector<128x768xf32>
    %and3A_225 = arith.andi %and3A_221, %ne3A_224 : vector<128x768xi1>
    %convert_element_type3A_226 = arith.extui %and3A_225 : vector<128x768xi1> to vector<128x768xi32>
    %convert_element_type3A_227 = arith.sitofp %convert_element_type3A_226 : vector<128x768xi32> to vector<128x768xf32>
    %mul3A_228 = arith.mulf %max3A_216, %convert_element_type3A_227 : vector<128x768xf32>
    %gt3A_229 = arith.constant 0.000000e+00 : f32
    %gt3A_230 = vector.broadcast %gt3A_229 : f32 to vector<128x1xf32>
    %gt3A_231 = arith.cmpf ogt, %get3A_178, %gt3A_230 : vector<128x1xf32>
    %convert_element_type3A_232 = arith.extui %gt3A_231 : vector<128x1xi1> to vector<128x1xi32>
    %convert_element_type3A_233 = arith.sitofp %convert_element_type3A_232 : vector<128x1xi32> to vector<128x1xf32>
    %mul3A_234 = arith.mulf %get3A_184, %convert_element_type3A_233 : vector<128x1xf32>
    %mul3A_235 = vector.broadcast %mul3A_234 : vector<128x1xf32> to vector<128x768xf32>
    %mul3A_236 = arith.mulf %mul3A_228, %mul3A_235 : vector<128x768xf32>
    %mul3A_237 = vector.broadcast %slice3A_188 : vector<1x768xf32> to vector<128x768xf32>
    %mul3A_238 = arith.mulf %mul3A_236, %mul3A_237 : vector<128x768xf32>
    %reduce_sum3A_239 = vector.shape_cast %mul3A_238 : vector<128x768xf32> to vector<1x128x768xf32>
    %reduce_sum3A_240 = arith.constant dense<0.000000e+00> : vector<1xf32>
    %reduce_sum3A_241 = vector.multi_reduction <add>, %reduce_sum3A_239, %reduce_sum3A_240 [1, 2] : vector<1x128x768xf32> to vector<1xf32>
    %reduce_sum3A_242 = vector.shape_cast %reduce_sum3A_241 : vector<1xf32> to vector<1x1x1xf32>
    %reduce_sum3A_243 = vector.extract %reduce_sum3A_242[0, 0, 0] : f32 from vector<1x1x1xf32>
    %add3A_244 = arith.addf %add3A_172, %reduce_sum3A_243 : f32
    %get3A_245 = arith.constant 384 : index
    %get3A_246 = arith.constant 0 : index
    %get3A_247 = vector.load %arg7[%get3A_245, %get3A_246] : memref<1024x1xi32, #tpu.memory_space<vmem>>, vector<128x1xi32>
    %get3A_248 = arith.constant 384 : index
    %get3A_249 = arith.constant 0 : index
    %get3A_250 = vector.load %arg6[%get3A_248, %get3A_249] : memref<1024x1xf32, #tpu.memory_space<vmem>>, vector<128x1xf32>
    %get3A_251 = arith.constant 384 : index
    %get3A_252 = arith.constant 0 : index
    %get3A_253 = vector.load %arg4[%get3A_251, %get3A_252] : memref<1024x1xf32, #tpu.memory_space<vmem>>, vector<128x1xf32>
    %get3A_254 = arith.constant 384 : index
    %get3A_255 = arith.constant 0 : index
    %get3A_256 = vector.load %arg10[%get3A_254, %get3A_255] : memref<1024x1xf32, #tpu.memory_space<vmem>>, vector<128x1xf32>
    %slice3A_257 = vector.extract_strided_slice %get3A_1 {offsets = [0, 384], sizes = [1, 640], strides = [1, 1]} : vector<1x1024xf32> to vector<1x640xf32>
    %slice3A_258 = vector.extract_strided_slice %get3A_4 {offsets = [0, 384], sizes = [1, 640], strides = [1, 1]} : vector<1x1024xi32> to vector<1x640xi32>
    %slice3A_259 = vector.extract_strided_slice %get3A_13 {offsets = [0, 384], sizes = [1, 640], strides = [1, 1]} : vector<1x1024xf32> to vector<1x640xf32>
    %slice3A_260 = vector.extract_strided_slice %mul3A {offsets = [0, 384], sizes = [1, 640], strides = [1, 1]} : vector<1x1024xf32> to vector<1x640xf32>
    %iota3A_261 = tpu.iota {dimensions = array<i32: 0>} : vector<128x640xi32>
    %iota3A_262 = tpu.iota {dimensions = array<i32: 1>} : vector<128x640xi32>
    %sub3A_263 = vector.broadcast %slice3A_257 : vector<1x640xf32> to vector<128x640xf32>
    %sub3A_264 = vector.broadcast %get3A_250 : vector<128x1xf32> to vector<128x640xf32>
    %sub3A_265 = arith.subf %sub3A_263, %sub3A_264 : vector<128x640xf32>
    %sign3A_266 = tpu.bitcast %sub3A_265 : vector<128x640xf32> -> vector<128x640xi32>
    %sign3A_267 = arith.constant -2147483648 : i32
    %sign3A_268 = vector.broadcast %sign3A_267 : i32 to vector<128x640xi32>
    %sign3A_269 = arith.andi %sign3A_266, %sign3A_268 : vector<128x640xi32>
    %sign3A_270 = arith.constant 1065353216 : i32
    %sign3A_271 = vector.broadcast %sign3A_270 : i32 to vector<128x640xi32>
    %sign3A_272 = arith.ori %sign3A_271, %sign3A_269 : vector<128x640xi32>
    %sign3A_273 = tpu.bitcast %sign3A_272 : vector<128x640xi32> -> vector<128x640xf32>
    %sign3A_274 = math.absf %sub3A_265 : vector<128x640xf32>
    %sign3A_275 = arith.constant 0.000000e+00 : f32
    %sign3A_276 = vector.broadcast %sign3A_275 : f32 to vector<128x640xf32>
    %sign3A_277 = arith.cmpf ogt, %sign3A_274, %sign3A_276 : vector<128x640xf32>
    %sign3A_278 = arith.select %sign3A_277, %sign3A_273, %sub3A_265 : vector<128x640xi1>, vector<128x640xf32>
    %sub3A_279 = vector.broadcast %get3A_253 : vector<128x1xf32> to vector<128x640xf32>
    %sub3A_280 = vector.broadcast %slice3A_259 : vector<1x640xf32> to vector<128x640xf32>
    %sub3A_281 = arith.subf %sub3A_279, %sub3A_280 : vector<128x640xf32>
    %mul3A_282 = arith.mulf %sign3A_278, %sub3A_281 : vector<128x640xf32>
    %add3A_283 = arith.constant 1.000000e-01 : f32
    %add3A_284 = vector.broadcast %add3A_283 : f32 to vector<128x640xf32>
    %add3A_285 = arith.addf %mul3A_282, %add3A_284 : vector<128x640xf32>
    %max3A_286 = arith.constant 0.000000e+00 : f32
    %max3A_287 = vector.broadcast %max3A_286 : f32 to vector<128x640xf32>
    %max3A_288 = arith.maximumf %add3A_285, %max3A_287 : vector<128x640xf32>
    %eq3A_289 = vector.broadcast %get3A_247 : vector<128x1xi32> to vector<128x640xi32>
    %eq3A_290 = vector.broadcast %slice3A_258 : vector<1x640xi32> to vector<128x640xi32>
    %eq3A_291 = arith.cmpi eq, %eq3A_289, %eq3A_290 : vector<128x640xi32>
    %gt3A_292 = arith.cmpi sgt, %iota3A_262, %iota3A_261 : vector<128x640xi32>
    %and3A_293 = arith.andi %eq3A_291, %gt3A_292 : vector<128x640xi1>
    %ne3A_294 = vector.broadcast %get3A_250 : vector<128x1xf32> to vector<128x640xf32>
    %ne3A_295 = vector.broadcast %slice3A_257 : vector<1x640xf32> to vector<128x640xf32>
    %ne3A_296 = arith.cmpf one, %ne3A_294, %ne3A_295 : vector<128x640xf32>
    %and3A_297 = arith.andi %and3A_293, %ne3A_296 : vector<128x640xi1>
    %convert_element_type3A_298 = arith.extui %and3A_297 : vector<128x640xi1> to vector<128x640xi32>
    %convert_element_type3A_299 = arith.sitofp %convert_element_type3A_298 : vector<128x640xi32> to vector<128x640xf32>
    %mul3A_300 = arith.mulf %max3A_288, %convert_element_type3A_299 : vector<128x640xf32>
    %gt3A_301 = arith.constant 0.000000e+00 : f32
    %gt3A_302 = vector.broadcast %gt3A_301 : f32 to vector<128x1xf32>
    %gt3A_303 = arith.cmpf ogt, %get3A_250, %gt3A_302 : vector<128x1xf32>
    %convert_element_type3A_304 = arith.extui %gt3A_303 : vector<128x1xi1> to vector<128x1xi32>
    %convert_element_type3A_305 = arith.sitofp %convert_element_type3A_304 : vector<128x1xi32> to vector<128x1xf32>
    %mul3A_306 = arith.mulf %get3A_256, %convert_element_type3A_305 : vector<128x1xf32>
    %mul3A_307 = vector.broadcast %mul3A_306 : vector<128x1xf32> to vector<128x640xf32>
    %mul3A_308 = arith.mulf %mul3A_300, %mul3A_307 : vector<128x640xf32>
    %mul3A_309 = vector.broadcast %slice3A_260 : vector<1x640xf32> to vector<128x640xf32>
    %mul3A_310 = arith.mulf %mul3A_308, %mul3A_309 : vector<128x640xf32>
    %reduce_sum3A_311 = vector.shape_cast %mul3A_310 : vector<128x640xf32> to vector<1x128x640xf32>
    %reduce_sum3A_312 = arith.constant dense<0.000000e+00> : vector<1xf32>
    %reduce_sum3A_313 = vector.multi_reduction <add>, %reduce_sum3A_311, %reduce_sum3A_312 [1, 2] : vector<1x128x640xf32> to vector<1xf32>
    %reduce_sum3A_314 = vector.shape_cast %reduce_sum3A_313 : vector<1xf32> to vector<1x1x1xf32>
    %reduce_sum3A_315 = vector.extract %reduce_sum3A_314[0, 0, 0] : f32 from vector<1x1x1xf32>
    %add3A_316 = arith.addf %add3A_244, %reduce_sum3A_315 : f32
    %get3A_317 = arith.constant 512 : index
    %get3A_318 = arith.constant 0 : index
    %get3A_319 = vector.load %arg7[%get3A_317, %get3A_318] : memref<1024x1xi32, #tpu.memory_space<vmem>>, vector<128x1xi32>
    %get3A_320 = arith.constant 512 : index
    %get3A_321 = arith.constant 0 : index
    %get3A_322 = vector.load %arg6[%get3A_320, %get3A_321] : memref<1024x1xf32, #tpu.memory_space<vmem>>, vector<128x1xf32>
    %get3A_323 = arith.constant 512 : index
    %get3A_324 = arith.constant 0 : index
    %get3A_325 = vector.load %arg4[%get3A_323, %get3A_324] : memref<1024x1xf32, #tpu.memory_space<vmem>>, vector<128x1xf32>
    %get3A_326 = arith.constant 512 : index
    %get3A_327 = arith.constant 0 : index
    %get3A_328 = vector.load %arg10[%get3A_326, %get3A_327] : memref<1024x1xf32, #tpu.memory_space<vmem>>, vector<128x1xf32>
    %slice3A_329 = vector.extract_strided_slice %get3A_1 {offsets = [0, 512], sizes = [1, 512], strides = [1, 1]} : vector<1x1024xf32> to vector<1x512xf32>
    %slice3A_330 = vector.extract_strided_slice %get3A_4 {offsets = [0, 512], sizes = [1, 512], strides = [1, 1]} : vector<1x1024xi32> to vector<1x512xi32>
    %slice3A_331 = vector.extract_strided_slice %get3A_13 {offsets = [0, 512], sizes = [1, 512], strides = [1, 1]} : vector<1x1024xf32> to vector<1x512xf32>
    %slice3A_332 = vector.extract_strided_slice %mul3A {offsets = [0, 512], sizes = [1, 512], strides = [1, 1]} : vector<1x1024xf32> to vector<1x512xf32>
    %iota3A_333 = tpu.iota {dimensions = array<i32: 0>} : vector<128x512xi32>
    %iota3A_334 = tpu.iota {dimensions = array<i32: 1>} : vector<128x512xi32>
    %sub3A_335 = vector.broadcast %slice3A_329 : vector<1x512xf32> to vector<128x512xf32>
    %sub3A_336 = vector.broadcast %get3A_322 : vector<128x1xf32> to vector<128x512xf32>
    %sub3A_337 = arith.subf %sub3A_335, %sub3A_336 : vector<128x512xf32>
    %sign3A_338 = tpu.bitcast %sub3A_337 : vector<128x512xf32> -> vector<128x512xi32>
    %sign3A_339 = arith.constant -2147483648 : i32
    %sign3A_340 = vector.broadcast %sign3A_339 : i32 to vector<128x512xi32>
    %sign3A_341 = arith.andi %sign3A_338, %sign3A_340 : vector<128x512xi32>
    %sign3A_342 = arith.constant 1065353216 : i32
    %sign3A_343 = vector.broadcast %sign3A_342 : i32 to vector<128x512xi32>
    %sign3A_344 = arith.ori %sign3A_343, %sign3A_341 : vector<128x512xi32>
    %sign3A_345 = tpu.bitcast %sign3A_344 : vector<128x512xi32> -> vector<128x512xf32>
    %sign3A_346 = math.absf %sub3A_337 : vector<128x512xf32>
    %sign3A_347 = arith.constant 0.000000e+00 : f32
    %sign3A_348 = vector.broadcast %sign3A_347 : f32 to vector<128x512xf32>
    %sign3A_349 = arith.cmpf ogt, %sign3A_346, %sign3A_348 : vector<128x512xf32>
    %sign3A_350 = arith.select %sign3A_349, %sign3A_345, %sub3A_337 : vector<128x512xi1>, vector<128x512xf32>
    %sub3A_351 = vector.broadcast %get3A_325 : vector<128x1xf32> to vector<128x512xf32>
    %sub3A_352 = vector.broadcast %slice3A_331 : vector<1x512xf32> to vector<128x512xf32>
    %sub3A_353 = arith.subf %sub3A_351, %sub3A_352 : vector<128x512xf32>
    %mul3A_354 = arith.mulf %sign3A_350, %sub3A_353 : vector<128x512xf32>
    %add3A_355 = arith.constant 1.000000e-01 : f32
    %add3A_356 = vector.broadcast %add3A_355 : f32 to vector<128x512xf32>
    %add3A_357 = arith.addf %mul3A_354, %add3A_356 : vector<128x512xf32>
    %max3A_358 = arith.constant 0.000000e+00 : f32
    %max3A_359 = vector.broadcast %max3A_358 : f32 to vector<128x512xf32>
    %max3A_360 = arith.maximumf %add3A_357, %max3A_359 : vector<128x512xf32>
    %eq3A_361 = vector.broadcast %get3A_319 : vector<128x1xi32> to vector<128x512xi32>
    %eq3A_362 = vector.broadcast %slice3A_330 : vector<1x512xi32> to vector<128x512xi32>
    %eq3A_363 = arith.cmpi eq, %eq3A_361, %eq3A_362 : vector<128x512xi32>
    %gt3A_364 = arith.cmpi sgt, %iota3A_334, %iota3A_333 : vector<128x512xi32>
    %and3A_365 = arith.andi %eq3A_363, %gt3A_364 : vector<128x512xi1>
    %ne3A_366 = vector.broadcast %get3A_322 : vector<128x1xf32> to vector<128x512xf32>
    %ne3A_367 = vector.broadcast %slice3A_329 : vector<1x512xf32> to vector<128x512xf32>
    %ne3A_368 = arith.cmpf one, %ne3A_366, %ne3A_367 : vector<128x512xf32>
    %and3A_369 = arith.andi %and3A_365, %ne3A_368 : vector<128x512xi1>
    %convert_element_type3A_370 = arith.extui %and3A_369 : vector<128x512xi1> to vector<128x512xi32>
    %convert_element_type3A_371 = arith.sitofp %convert_element_type3A_370 : vector<128x512xi32> to vector<128x512xf32>
    %mul3A_372 = arith.mulf %max3A_360, %convert_element_type3A_371 : vector<128x512xf32>
    %gt3A_373 = arith.constant 0.000000e+00 : f32
    %gt3A_374 = vector.broadcast %gt3A_373 : f32 to vector<128x1xf32>
    %gt3A_375 = arith.cmpf ogt, %get3A_322, %gt3A_374 : vector<128x1xf32>
    %convert_element_type3A_376 = arith.extui %gt3A_375 : vector<128x1xi1> to vector<128x1xi32>
    %convert_element_type3A_377 = arith.sitofp %convert_element_type3A_376 : vector<128x1xi32> to vector<128x1xf32>
    %mul3A_378 = arith.mulf %get3A_328, %convert_element_type3A_377 : vector<128x1xf32>
    %mul3A_379 = vector.broadcast %mul3A_378 : vector<128x1xf32> to vector<128x512xf32>
    %mul3A_380 = arith.mulf %mul3A_372, %mul3A_379 : vector<128x512xf32>
    %mul3A_381 = vector.broadcast %slice3A_332 : vector<1x512xf32> to vector<128x512xf32>
    %mul3A_382 = arith.mulf %mul3A_380, %mul3A_381 : vector<128x512xf32>
    %reduce_sum3A_383 = vector.shape_cast %mul3A_382 : vector<128x512xf32> to vector<1x128x512xf32>
    %reduce_sum3A_384 = arith.constant dense<0.000000e+00> : vector<1xf32>
    %reduce_sum3A_385 = vector.multi_reduction <add>, %reduce_sum3A_383, %reduce_sum3A_384 [1, 2] : vector<1x128x512xf32> to vector<1xf32>
    %reduce_sum3A_386 = vector.shape_cast %reduce_sum3A_385 : vector<1xf32> to vector<1x1x1xf32>
    %reduce_sum3A_387 = vector.extract %reduce_sum3A_386[0, 0, 0] : f32 from vector<1x1x1xf32>
    %add3A_388 = arith.addf %add3A_316, %reduce_sum3A_387 : f32
    %get3A_389 = arith.constant 640 : index
    %get3A_390 = arith.constant 0 : index
    %get3A_391 = vector.load %arg7[%get3A_389, %get3A_390] : memref<1024x1xi32, #tpu.memory_space<vmem>>, vector<128x1xi32>
    %get3A_392 = arith.constant 640 : index
    %get3A_393 = arith.constant 0 : index
    %get3A_394 = vector.load %arg6[%get3A_392, %get3A_393] : memref<1024x1xf32, #tpu.memory_space<vmem>>, vector<128x1xf32>
    %get3A_395 = arith.constant 640 : index
    %get3A_396 = arith.constant 0 : index
    %get3A_397 = vector.load %arg4[%get3A_395, %get3A_396] : memref<1024x1xf32, #tpu.memory_space<vmem>>, vector<128x1xf32>
    %get3A_398 = arith.constant 640 : index
    %get3A_399 = arith.constant 0 : index
    %get3A_400 = vector.load %arg10[%get3A_398, %get3A_399] : memref<1024x1xf32, #tpu.memory_space<vmem>>, vector<128x1xf32>
    %slice3A_401 = vector.extract_strided_slice %get3A_1 {offsets = [0, 640], sizes = [1, 384], strides = [1, 1]} : vector<1x1024xf32> to vector<1x384xf32>
    %slice3A_402 = vector.extract_strided_slice %get3A_4 {offsets = [0, 640], sizes = [1, 384], strides = [1, 1]} : vector<1x1024xi32> to vector<1x384xi32>
    %slice3A_403 = vector.extract_strided_slice %get3A_13 {offsets = [0, 640], sizes = [1, 384], strides = [1, 1]} : vector<1x1024xf32> to vector<1x384xf32>
    %slice3A_404 = vector.extract_strided_slice %mul3A {offsets = [0, 640], sizes = [1, 384], strides = [1, 1]} : vector<1x1024xf32> to vector<1x384xf32>
    %iota3A_405 = tpu.iota {dimensions = array<i32: 0>} : vector<128x384xi32>
    %iota3A_406 = tpu.iota {dimensions = array<i32: 1>} : vector<128x384xi32>
    %sub3A_407 = vector.broadcast %slice3A_401 : vector<1x384xf32> to vector<128x384xf32>
    %sub3A_408 = vector.broadcast %get3A_394 : vector<128x1xf32> to vector<128x384xf32>
    %sub3A_409 = arith.subf %sub3A_407, %sub3A_408 : vector<128x384xf32>
    %sign3A_410 = tpu.bitcast %sub3A_409 : vector<128x384xf32> -> vector<128x384xi32>
    %sign3A_411 = arith.constant -2147483648 : i32
    %sign3A_412 = vector.broadcast %sign3A_411 : i32 to vector<128x384xi32>
    %sign3A_413 = arith.andi %sign3A_410, %sign3A_412 : vector<128x384xi32>
    %sign3A_414 = arith.constant 1065353216 : i32
    %sign3A_415 = vector.broadcast %sign3A_414 : i32 to vector<128x384xi32>
    %sign3A_416 = arith.ori %sign3A_415, %sign3A_413 : vector<128x384xi32>
    %sign3A_417 = tpu.bitcast %sign3A_416 : vector<128x384xi32> -> vector<128x384xf32>
    %sign3A_418 = math.absf %sub3A_409 : vector<128x384xf32>
    %sign3A_419 = arith.constant 0.000000e+00 : f32
    %sign3A_420 = vector.broadcast %sign3A_419 : f32 to vector<128x384xf32>
    %sign3A_421 = arith.cmpf ogt, %sign3A_418, %sign3A_420 : vector<128x384xf32>
    %sign3A_422 = arith.select %sign3A_421, %sign3A_417, %sub3A_409 : vector<128x384xi1>, vector<128x384xf32>
    %sub3A_423 = vector.broadcast %get3A_397 : vector<128x1xf32> to vector<128x384xf32>
    %sub3A_424 = vector.broadcast %slice3A_403 : vector<1x384xf32> to vector<128x384xf32>
    %sub3A_425 = arith.subf %sub3A_423, %sub3A_424 : vector<128x384xf32>
    %mul3A_426 = arith.mulf %sign3A_422, %sub3A_425 : vector<128x384xf32>
    %add3A_427 = arith.constant 1.000000e-01 : f32
    %add3A_428 = vector.broadcast %add3A_427 : f32 to vector<128x384xf32>
    %add3A_429 = arith.addf %mul3A_426, %add3A_428 : vector<128x384xf32>
    %max3A_430 = arith.constant 0.000000e+00 : f32
    %max3A_431 = vector.broadcast %max3A_430 : f32 to vector<128x384xf32>
    %max3A_432 = arith.maximumf %add3A_429, %max3A_431 : vector<128x384xf32>
    %eq3A_433 = vector.broadcast %get3A_391 : vector<128x1xi32> to vector<128x384xi32>
    %eq3A_434 = vector.broadcast %slice3A_402 : vector<1x384xi32> to vector<128x384xi32>
    %eq3A_435 = arith.cmpi eq, %eq3A_433, %eq3A_434 : vector<128x384xi32>
    %gt3A_436 = arith.cmpi sgt, %iota3A_406, %iota3A_405 : vector<128x384xi32>
    %and3A_437 = arith.andi %eq3A_435, %gt3A_436 : vector<128x384xi1>
    %ne3A_438 = vector.broadcast %get3A_394 : vector<128x1xf32> to vector<128x384xf32>
    %ne3A_439 = vector.broadcast %slice3A_401 : vector<1x384xf32> to vector<128x384xf32>
    %ne3A_440 = arith.cmpf one, %ne3A_438, %ne3A_439 : vector<128x384xf32>
    %and3A_441 = arith.andi %and3A_437, %ne3A_440 : vector<128x384xi1>
    %convert_element_type3A_442 = arith.extui %and3A_441 : vector<128x384xi1> to vector<128x384xi32>
    %convert_element_type3A_443 = arith.sitofp %convert_element_type3A_442 : vector<128x384xi32> to vector<128x384xf32>
    %mul3A_444 = arith.mulf %max3A_432, %convert_element_type3A_443 : vector<128x384xf32>
    %gt3A_445 = arith.constant 0.000000e+00 : f32
    %gt3A_446 = vector.broadcast %gt3A_445 : f32 to vector<128x1xf32>
    %gt3A_447 = arith.cmpf ogt, %get3A_394, %gt3A_446 : vector<128x1xf32>
    %convert_element_type3A_448 = arith.extui %gt3A_447 : vector<128x1xi1> to vector<128x1xi32>
    %convert_element_type3A_449 = arith.sitofp %convert_element_type3A_448 : vector<128x1xi32> to vector<128x1xf32>
    %mul3A_450 = arith.mulf %get3A_400, %convert_element_type3A_449 : vector<128x1xf32>
    %mul3A_451 = vector.broadcast %mul3A_450 : vector<128x1xf32> to vector<128x384xf32>
    %mul3A_452 = arith.mulf %mul3A_444, %mul3A_451 : vector<128x384xf32>
    %mul3A_453 = vector.broadcast %slice3A_404 : vector<1x384xf32> to vector<128x384xf32>
    %mul3A_454 = arith.mulf %mul3A_452, %mul3A_453 : vector<128x384xf32>
    %reduce_sum3A_455 = vector.shape_cast %mul3A_454 : vector<128x384xf32> to vector<1x128x384xf32>
    %reduce_sum3A_456 = arith.constant dense<0.000000e+00> : vector<1xf32>
    %reduce_sum3A_457 = vector.multi_reduction <add>, %reduce_sum3A_455, %reduce_sum3A_456 [1, 2] : vector<1x128x384xf32> to vector<1xf32>
    %reduce_sum3A_458 = vector.shape_cast %reduce_sum3A_457 : vector<1xf32> to vector<1x1x1xf32>
    %reduce_sum3A_459 = vector.extract %reduce_sum3A_458[0, 0, 0] : f32 from vector<1x1x1xf32>
    %add3A_460 = arith.addf %add3A_388, %reduce_sum3A_459 : f32
    %get3A_461 = arith.constant 768 : index
    %get3A_462 = arith.constant 0 : index
    %get3A_463 = vector.load %arg7[%get3A_461, %get3A_462] : memref<1024x1xi32, #tpu.memory_space<vmem>>, vector<128x1xi32>
    %get3A_464 = arith.constant 768 : index
    %get3A_465 = arith.constant 0 : index
    %get3A_466 = vector.load %arg6[%get3A_464, %get3A_465] : memref<1024x1xf32, #tpu.memory_space<vmem>>, vector<128x1xf32>
    %get3A_467 = arith.constant 768 : index
    %get3A_468 = arith.constant 0 : index
    %get3A_469 = vector.load %arg4[%get3A_467, %get3A_468] : memref<1024x1xf32, #tpu.memory_space<vmem>>, vector<128x1xf32>
    %get3A_470 = arith.constant 768 : index
    %get3A_471 = arith.constant 0 : index
    %get3A_472 = vector.load %arg10[%get3A_470, %get3A_471] : memref<1024x1xf32, #tpu.memory_space<vmem>>, vector<128x1xf32>
    %slice3A_473 = vector.extract_strided_slice %get3A_1 {offsets = [0, 768], sizes = [1, 256], strides = [1, 1]} : vector<1x1024xf32> to vector<1x256xf32>
    %slice3A_474 = vector.extract_strided_slice %get3A_4 {offsets = [0, 768], sizes = [1, 256], strides = [1, 1]} : vector<1x1024xi32> to vector<1x256xi32>
    %slice3A_475 = vector.extract_strided_slice %get3A_13 {offsets = [0, 768], sizes = [1, 256], strides = [1, 1]} : vector<1x1024xf32> to vector<1x256xf32>
    %slice3A_476 = vector.extract_strided_slice %mul3A {offsets = [0, 768], sizes = [1, 256], strides = [1, 1]} : vector<1x1024xf32> to vector<1x256xf32>
    %iota3A_477 = tpu.iota {dimensions = array<i32: 0>} : vector<128x256xi32>
    %iota3A_478 = tpu.iota {dimensions = array<i32: 1>} : vector<128x256xi32>
    %sub3A_479 = vector.broadcast %slice3A_473 : vector<1x256xf32> to vector<128x256xf32>
    %sub3A_480 = vector.broadcast %get3A_466 : vector<128x1xf32> to vector<128x256xf32>
    %sub3A_481 = arith.subf %sub3A_479, %sub3A_480 : vector<128x256xf32>
    %sign3A_482 = tpu.bitcast %sub3A_481 : vector<128x256xf32> -> vector<128x256xi32>
    %sign3A_483 = arith.constant -2147483648 : i32
    %sign3A_484 = vector.broadcast %sign3A_483 : i32 to vector<128x256xi32>
    %sign3A_485 = arith.andi %sign3A_482, %sign3A_484 : vector<128x256xi32>
    %sign3A_486 = arith.constant 1065353216 : i32
    %sign3A_487 = vector.broadcast %sign3A_486 : i32 to vector<128x256xi32>
    %sign3A_488 = arith.ori %sign3A_487, %sign3A_485 : vector<128x256xi32>
    %sign3A_489 = tpu.bitcast %sign3A_488 : vector<128x256xi32> -> vector<128x256xf32>
    %sign3A_490 = math.absf %sub3A_481 : vector<128x256xf32>
    %sign3A_491 = arith.constant 0.000000e+00 : f32
    %sign3A_492 = vector.broadcast %sign3A_491 : f32 to vector<128x256xf32>
    %sign3A_493 = arith.cmpf ogt, %sign3A_490, %sign3A_492 : vector<128x256xf32>
    %sign3A_494 = arith.select %sign3A_493, %sign3A_489, %sub3A_481 : vector<128x256xi1>, vector<128x256xf32>
    %sub3A_495 = vector.broadcast %get3A_469 : vector<128x1xf32> to vector<128x256xf32>
    %sub3A_496 = vector.broadcast %slice3A_475 : vector<1x256xf32> to vector<128x256xf32>
    %sub3A_497 = arith.subf %sub3A_495, %sub3A_496 : vector<128x256xf32>
    %mul3A_498 = arith.mulf %sign3A_494, %sub3A_497 : vector<128x256xf32>
    %add3A_499 = arith.constant 1.000000e-01 : f32
    %add3A_500 = vector.broadcast %add3A_499 : f32 to vector<128x256xf32>
    %add3A_501 = arith.addf %mul3A_498, %add3A_500 : vector<128x256xf32>
    %max3A_502 = arith.constant 0.000000e+00 : f32
    %max3A_503 = vector.broadcast %max3A_502 : f32 to vector<128x256xf32>
    %max3A_504 = arith.maximumf %add3A_501, %max3A_503 : vector<128x256xf32>
    %eq3A_505 = vector.broadcast %get3A_463 : vector<128x1xi32> to vector<128x256xi32>
    %eq3A_506 = vector.broadcast %slice3A_474 : vector<1x256xi32> to vector<128x256xi32>
    %eq3A_507 = arith.cmpi eq, %eq3A_505, %eq3A_506 : vector<128x256xi32>
    %gt3A_508 = arith.cmpi sgt, %iota3A_478, %iota3A_477 : vector<128x256xi32>
    %and3A_509 = arith.andi %eq3A_507, %gt3A_508 : vector<128x256xi1>
    %ne3A_510 = vector.broadcast %get3A_466 : vector<128x1xf32> to vector<128x256xf32>
    %ne3A_511 = vector.broadcast %slice3A_473 : vector<1x256xf32> to vector<128x256xf32>
    %ne3A_512 = arith.cmpf one, %ne3A_510, %ne3A_511 : vector<128x256xf32>
    %and3A_513 = arith.andi %and3A_509, %ne3A_512 : vector<128x256xi1>
    %convert_element_type3A_514 = arith.extui %and3A_513 : vector<128x256xi1> to vector<128x256xi32>
    %convert_element_type3A_515 = arith.sitofp %convert_element_type3A_514 : vector<128x256xi32> to vector<128x256xf32>
    %mul3A_516 = arith.mulf %max3A_504, %convert_element_type3A_515 : vector<128x256xf32>
    %gt3A_517 = arith.constant 0.000000e+00 : f32
    %gt3A_518 = vector.broadcast %gt3A_517 : f32 to vector<128x1xf32>
    %gt3A_519 = arith.cmpf ogt, %get3A_466, %gt3A_518 : vector<128x1xf32>
    %convert_element_type3A_520 = arith.extui %gt3A_519 : vector<128x1xi1> to vector<128x1xi32>
    %convert_element_type3A_521 = arith.sitofp %convert_element_type3A_520 : vector<128x1xi32> to vector<128x1xf32>
    %mul3A_522 = arith.mulf %get3A_472, %convert_element_type3A_521 : vector<128x1xf32>
    %mul3A_523 = vector.broadcast %mul3A_522 : vector<128x1xf32> to vector<128x256xf32>
    %mul3A_524 = arith.mulf %mul3A_516, %mul3A_523 : vector<128x256xf32>
    %mul3A_525 = vector.broadcast %slice3A_476 : vector<1x256xf32> to vector<128x256xf32>
    %mul3A_526 = arith.mulf %mul3A_524, %mul3A_525 : vector<128x256xf32>
    %reduce_sum3A_527 = vector.shape_cast %mul3A_526 : vector<128x256xf32> to vector<1x128x256xf32>
    %reduce_sum3A_528 = arith.constant dense<0.000000e+00> : vector<1xf32>
    %reduce_sum3A_529 = vector.multi_reduction <add>, %reduce_sum3A_527, %reduce_sum3A_528 [1, 2] : vector<1x128x256xf32> to vector<1xf32>
    %reduce_sum3A_530 = vector.shape_cast %reduce_sum3A_529 : vector<1xf32> to vector<1x1x1xf32>
    %reduce_sum3A_531 = vector.extract %reduce_sum3A_530[0, 0, 0] : f32 from vector<1x1x1xf32>
    %add3A_532 = arith.addf %add3A_460, %reduce_sum3A_531 : f32
    %get3A_533 = arith.constant 896 : index
    %get3A_534 = arith.constant 0 : index
    %get3A_535 = vector.load %arg7[%get3A_533, %get3A_534] : memref<1024x1xi32, #tpu.memory_space<vmem>>, vector<128x1xi32>
    %get3A_536 = arith.constant 896 : index
    %get3A_537 = arith.constant 0 : index
    %get3A_538 = vector.load %arg6[%get3A_536, %get3A_537] : memref<1024x1xf32, #tpu.memory_space<vmem>>, vector<128x1xf32>
    %get3A_539 = arith.constant 896 : index
    %get3A_540 = arith.constant 0 : index
    %get3A_541 = vector.load %arg4[%get3A_539, %get3A_540] : memref<1024x1xf32, #tpu.memory_space<vmem>>, vector<128x1xf32>
    %get3A_542 = arith.constant 896 : index
    %get3A_543 = arith.constant 0 : index
    %get3A_544 = vector.load %arg10[%get3A_542, %get3A_543] : memref<1024x1xf32, #tpu.memory_space<vmem>>, vector<128x1xf32>
    %slice3A_545 = vector.extract_strided_slice %get3A_1 {offsets = [0, 896], sizes = [1, 128], strides = [1, 1]} : vector<1x1024xf32> to vector<1x128xf32>
    %slice3A_546 = vector.extract_strided_slice %get3A_4 {offsets = [0, 896], sizes = [1, 128], strides = [1, 1]} : vector<1x1024xi32> to vector<1x128xi32>
    %slice3A_547 = vector.extract_strided_slice %get3A_13 {offsets = [0, 896], sizes = [1, 128], strides = [1, 1]} : vector<1x1024xf32> to vector<1x128xf32>
    %slice3A_548 = vector.extract_strided_slice %mul3A {offsets = [0, 896], sizes = [1, 128], strides = [1, 1]} : vector<1x1024xf32> to vector<1x128xf32>
    %iota3A_549 = tpu.iota {dimensions = array<i32: 0>} : vector<128x128xi32>
    %iota3A_550 = tpu.iota {dimensions = array<i32: 1>} : vector<128x128xi32>
    %sub3A_551 = vector.broadcast %slice3A_545 : vector<1x128xf32> to vector<128x128xf32>
    %sub3A_552 = vector.broadcast %get3A_538 : vector<128x1xf32> to vector<128x128xf32>
    %sub3A_553 = arith.subf %sub3A_551, %sub3A_552 : vector<128x128xf32>
    %sign3A_554 = tpu.bitcast %sub3A_553 : vector<128x128xf32> -> vector<128x128xi32>
    %sign3A_555 = arith.constant -2147483648 : i32
    %sign3A_556 = vector.broadcast %sign3A_555 : i32 to vector<128x128xi32>
    %sign3A_557 = arith.andi %sign3A_554, %sign3A_556 : vector<128x128xi32>
    %sign3A_558 = arith.constant 1065353216 : i32
    %sign3A_559 = vector.broadcast %sign3A_558 : i32 to vector<128x128xi32>
    %sign3A_560 = arith.ori %sign3A_559, %sign3A_557 : vector<128x128xi32>
    %sign3A_561 = tpu.bitcast %sign3A_560 : vector<128x128xi32> -> vector<128x128xf32>
    %sign3A_562 = math.absf %sub3A_553 : vector<128x128xf32>
    %sign3A_563 = arith.constant 0.000000e+00 : f32
    %sign3A_564 = vector.broadcast %sign3A_563 : f32 to vector<128x128xf32>
    %sign3A_565 = arith.cmpf ogt, %sign3A_562, %sign3A_564 : vector<128x128xf32>
    %sign3A_566 = arith.select %sign3A_565, %sign3A_561, %sub3A_553 : vector<128x128xi1>, vector<128x128xf32>
    %sub3A_567 = vector.broadcast %get3A_541 : vector<128x1xf32> to vector<128x128xf32>
    %sub3A_568 = vector.broadcast %slice3A_547 : vector<1x128xf32> to vector<128x128xf32>
    %sub3A_569 = arith.subf %sub3A_567, %sub3A_568 : vector<128x128xf32>
    %mul3A_570 = arith.mulf %sign3A_566, %sub3A_569 : vector<128x128xf32>
    %add3A_571 = arith.constant 1.000000e-01 : f32
    %add3A_572 = vector.broadcast %add3A_571 : f32 to vector<128x128xf32>
    %add3A_573 = arith.addf %mul3A_570, %add3A_572 : vector<128x128xf32>
    %max3A_574 = arith.constant 0.000000e+00 : f32
    %max3A_575 = vector.broadcast %max3A_574 : f32 to vector<128x128xf32>
    %max3A_576 = arith.maximumf %add3A_573, %max3A_575 : vector<128x128xf32>
    %eq3A_577 = vector.broadcast %get3A_535 : vector<128x1xi32> to vector<128x128xi32>
    %eq3A_578 = vector.broadcast %slice3A_546 : vector<1x128xi32> to vector<128x128xi32>
    %eq3A_579 = arith.cmpi eq, %eq3A_577, %eq3A_578 : vector<128x128xi32>
    %gt3A_580 = arith.cmpi sgt, %iota3A_550, %iota3A_549 : vector<128x128xi32>
    %and3A_581 = arith.andi %eq3A_579, %gt3A_580 : vector<128x128xi1>
    %ne3A_582 = vector.broadcast %get3A_538 : vector<128x1xf32> to vector<128x128xf32>
    %ne3A_583 = vector.broadcast %slice3A_545 : vector<1x128xf32> to vector<128x128xf32>
    %ne3A_584 = arith.cmpf one, %ne3A_582, %ne3A_583 : vector<128x128xf32>
    %and3A_585 = arith.andi %and3A_581, %ne3A_584 : vector<128x128xi1>
    %convert_element_type3A_586 = arith.extui %and3A_585 : vector<128x128xi1> to vector<128x128xi32>
    %convert_element_type3A_587 = arith.sitofp %convert_element_type3A_586 : vector<128x128xi32> to vector<128x128xf32>
    %mul3A_588 = arith.mulf %max3A_576, %convert_element_type3A_587 : vector<128x128xf32>
    %gt3A_589 = arith.constant 0.000000e+00 : f32
    %gt3A_590 = vector.broadcast %gt3A_589 : f32 to vector<128x1xf32>
    %gt3A_591 = arith.cmpf ogt, %get3A_538, %gt3A_590 : vector<128x1xf32>
    %convert_element_type3A_592 = arith.extui %gt3A_591 : vector<128x1xi1> to vector<128x1xi32>
    %convert_element_type3A_593 = arith.sitofp %convert_element_type3A_592 : vector<128x1xi32> to vector<128x1xf32>
    %mul3A_594 = arith.mulf %get3A_544, %convert_element_type3A_593 : vector<128x1xf32>
    %mul3A_595 = vector.broadcast %mul3A_594 : vector<128x1xf32> to vector<128x128xf32>
    %mul3A_596 = arith.mulf %mul3A_588, %mul3A_595 : vector<128x128xf32>
    %mul3A_597 = vector.broadcast %slice3A_548 : vector<1x128xf32> to vector<128x128xf32>
    %mul3A_598 = arith.mulf %mul3A_596, %mul3A_597 : vector<128x128xf32>
    %reduce_sum3A_599 = vector.shape_cast %mul3A_598 : vector<128x128xf32> to vector<1x128x128xf32>
    %reduce_sum3A_600 = arith.constant dense<0.000000e+00> : vector<1xf32>
    %reduce_sum3A_601 = vector.multi_reduction <add>, %reduce_sum3A_599, %reduce_sum3A_600 [1, 2] : vector<1x128x128xf32> to vector<1xf32>
    %reduce_sum3A_602 = vector.shape_cast %reduce_sum3A_601 : vector<1xf32> to vector<1x1x1xf32>
    %reduce_sum3A_603 = vector.extract %reduce_sum3A_602[0, 0, 0] : f32 from vector<1x1x1xf32>
    %add3A_604 = arith.addf %add3A_532, %reduce_sum3A_603 : f32
    %div3A = arith.divf %add3A_604, %reduce_sum3A_22 : f32
    %neg3A = arith.constant 0.000000e+00 : f32
    %neg3A_605 = vector.broadcast %neg3A : f32 to vector<1x1024xf32>
    %neg3A_606 = arith.subf %neg3A_605, %get3A_13 : vector<1x1024xf32>
    %div3A_607 = arith.constant 3.000000e-01 : f32
    %div3A_608 = vector.broadcast %div3A_607 : f32 to vector<1x1024xf32>
    %div3A_609 = arith.divf %neg3A_606, %div3A_608 : vector<1x1024xf32>
    %exp3A = math.exp %div3A_609 : vector<1x1024xf32>
    %gt3A_610 = arith.constant 0.699999988 : f32
    %gt3A_611 = vector.broadcast %gt3A_610 : f32 to vector<1x1024xf32>
    %gt3A_612 = arith.cmpf ogt, %get3A_1, %gt3A_611 : vector<1x1024xf32>
    %convert_element_type3A_613 = arith.extui %gt3A_612 : vector<1x1024xi1> to vector<1x1024xi32>
    %convert_element_type3A_614 = arith.sitofp %convert_element_type3A_613 : vector<1x1024xi32> to vector<1x1024xf32>
    %gt3A_615 = arith.constant 0.699999988 : f32
    %gt3A_616 = vector.broadcast %gt3A_615 : f32 to vector<1x1024xf32>
    %gt3A_617 = arith.cmpf ogt, %get3A_1, %gt3A_616 : vector<1x1024xf32>
    %lt3A = arith.constant 4.000000e-01 : f32
    %lt3A_618 = vector.broadcast %lt3A : f32 to vector<1x1024xf32>
    %lt3A_619 = arith.cmpf olt, %get3A_1, %lt3A_618 : vector<1x1024xf32>
    %jit3A = arith.constant 1.500000e+00 : f32
    %jit3A_620 = arith.constant 3.000000e-01 : f32
    %broadcast_in_dim3A_621 = vector.broadcast %jit3A : f32 to vector<1x1024xf32>
    %broadcast_in_dim3A_622 = vector.broadcast %jit3A_620 : f32 to vector<1x1024xf32>
    %select_n3A = arith.select %lt3A_619, %broadcast_in_dim3A_621, %broadcast_in_dim3A_622 : vector<1x1024xi1>, vector<1x1024xf32>
    %jit3A_623 = arith.constant 1.000000e+00 : f32
    %broadcast_in_dim3A_624 = vector.broadcast %jit3A_623 : f32 to vector<1x1024xf32>
    %select_n3A_625 = arith.select %gt3A_617, %broadcast_in_dim3A_624, %select_n3A : vector<1x1024xi1>, vector<1x1024xf32>
    %mul3A_626 = vector.broadcast %get3A_10 : vector<1x1024xf32> to vector<128x1024xf32>
    %mul3A_627 = arith.mulf %convert_element_type3A_17, %mul3A_626 : vector<128x1024xf32>
    %reduce_sum3A_628 = arith.constant dense<0.000000e+00> : vector<128xf32>
    %reduce_sum3A_629 = vector.multi_reduction <add>, %mul3A_627, %reduce_sum3A_628 [1] : vector<128x1024xf32> to vector<128xf32>
    %broadcast_in_dim3A_630 = vector.shape_cast %reduce_sum3A_629 : vector<128xf32> to vector<128x1xf32>
    %mul3A_631 = arith.mulf %get3A_10, %select_n3A_625 : vector<1x1024xf32>
    %mul3A_632 = arith.mulf %mul3A_631, %exp3A : vector<1x1024xf32>
    %mul3A_633 = vector.broadcast %mul3A_632 : vector<1x1024xf32> to vector<128x1024xf32>
    %mul3A_634 = arith.mulf %convert_element_type3A_17, %mul3A_633 : vector<128x1024xf32>
    %reduce_sum3A_635 = arith.constant dense<0.000000e+00> : vector<128xf32>
    %reduce_sum3A_636 = vector.multi_reduction <add>, %mul3A_634, %reduce_sum3A_635 [1] : vector<128x1024xf32> to vector<128xf32>
    %broadcast_in_dim3A_637 = vector.shape_cast %reduce_sum3A_636 : vector<128xf32> to vector<128x1xf32>
    %mul3A_638 = arith.mulf %get3A_10, %convert_element_type3A_614 : vector<1x1024xf32>
    %mul3A_639 = arith.mulf %mul3A_638, %exp3A : vector<1x1024xf32>
    %mul3A_640 = vector.broadcast %mul3A_639 : vector<1x1024xf32> to vector<128x1024xf32>
    %mul3A_641 = arith.mulf %convert_element_type3A_17, %mul3A_640 : vector<128x1024xf32>
    %reduce_sum3A_642 = arith.constant dense<0.000000e+00> : vector<128xf32>
    %reduce_sum3A_643 = vector.multi_reduction <add>, %mul3A_641, %reduce_sum3A_642 [1] : vector<128x1024xf32> to vector<128xf32>
    %broadcast_in_dim3A_644 = vector.shape_cast %reduce_sum3A_643 : vector<128xf32> to vector<128x1xf32>
    %mul3A_645 = arith.mulf %get3A_10, %convert_element_type3A_614 : vector<1x1024xf32>
    %mul3A_646 = vector.broadcast %mul3A_645 : vector<1x1024xf32> to vector<128x1024xf32>
    %mul3A_647 = arith.mulf %convert_element_type3A_17, %mul3A_646 : vector<128x1024xf32>
    %reduce_sum3A_648 = arith.constant dense<0.000000e+00> : vector<128xf32>
    %reduce_sum3A_649 = vector.multi_reduction <add>, %mul3A_647, %reduce_sum3A_648 [1] : vector<128x1024xf32> to vector<128xf32>
    %broadcast_in_dim3A_650 = vector.shape_cast %reduce_sum3A_649 : vector<128xf32> to vector<128x1xf32>
    %sub3A_651 = vector.broadcast %reduce_sum3A_34 : f32 to vector<128x1xf32>
    %sub3A_652 = arith.subf %sub3A_651, %broadcast_in_dim3A_630 : vector<128x1xf32>
    %mul3A_653 = arith.constant 3.000000e-01 : f32
    %mul3A_654 = vector.broadcast %mul3A_653 : f32 to vector<128x1xf32>
    %mul3A_655 = arith.mulf %mul3A_654, %sub3A_652 : vector<128x1xf32>
    %add3A_656 = arith.addf %mul3A_655, %broadcast_in_dim3A_637 : vector<128x1xf32>
    %add3A_657 = arith.constant 9.99999993E-9 : f32
    %add3A_658 = vector.broadcast %add3A_657 : f32 to vector<128x1xf32>
    %add3A_659 = arith.addf %add3A_656, %add3A_658 : vector<128x1xf32>
    %gt3A_660 = arith.constant 0.000000e+00 : f32
    %gt3A_661 = vector.broadcast %gt3A_660 : f32 to vector<128x1xf32>
    %gt3A_662 = arith.cmpf ogt, %broadcast_in_dim3A_650, %gt3A_661 : vector<128x1xf32>
    %convert_element_type3A_663 = arith.extui %gt3A_662 : vector<128x1xi1> to vector<128x1xi32>
    %convert_element_type3A_664 = arith.sitofp %convert_element_type3A_663 : vector<128x1xi32> to vector<128x1xf32>
    %gt3A_665 = arith.constant 0.000000e+00 : f32
    %gt3A_666 = vector.broadcast %gt3A_665 : f32 to vector<128x1xf32>
    %gt3A_667 = arith.cmpf ogt, %broadcast_in_dim3A_650, %gt3A_666 : vector<128x1xf32>
    %select_n3A_668 = arith.select %gt3A_667, %broadcast_in_dim3A_644, %add3A_659 : vector<128x1xi1>, vector<128x1xf32>
    %div3A_669 = arith.divf %select_n3A_668, %add3A_659 : vector<128x1xf32>
    %log3A = math.log %div3A_669 : vector<128x1xf32>
    %neg3A_670 = arith.constant 0.000000e+00 : f32
    %neg3A_671 = vector.broadcast %neg3A_670 : f32 to vector<128x1xf32>
    %neg3A_672 = arith.subf %neg3A_671, %log3A : vector<128x1xf32>
    %reduce_sum3A_673 = vector.shape_cast %convert_element_type3A_664 : vector<128x1xf32> to vector<1x128x1xf32>
    %reduce_sum3A_674 = arith.constant dense<0.000000e+00> : vector<1xf32>
    %reduce_sum3A_675 = vector.multi_reduction <add>, %reduce_sum3A_673, %reduce_sum3A_674 [1, 2] : vector<1x128x1xf32> to vector<1xf32>
    %reduce_sum3A_676 = vector.shape_cast %reduce_sum3A_675 : vector<1xf32> to vector<1x1x1xf32>
    %reduce_sum3A_677 = vector.extract %reduce_sum3A_676[0, 0, 0] : f32 from vector<1x1x1xf32>
    %gt3A_678 = arith.constant 0.000000e+00 : f32
    %gt3A_679 = arith.cmpf ogt, %reduce_sum3A_677, %gt3A_678 : f32
    %mul3A_680 = arith.mulf %neg3A_672, %convert_element_type3A_664 : vector<128x1xf32>
    %reduce_sum3A_681 = vector.shape_cast %mul3A_680 : vector<128x1xf32> to vector<1x128x1xf32>
    %reduce_sum3A_682 = arith.constant dense<0.000000e+00> : vector<1xf32>
    %reduce_sum3A_683 = vector.multi_reduction <add>, %reduce_sum3A_681, %reduce_sum3A_682 [1, 2] : vector<1x128x1xf32> to vector<1xf32>
    %reduce_sum3A_684 = vector.shape_cast %reduce_sum3A_683 : vector<1xf32> to vector<1x1x1xf32>
    %reduce_sum3A_685 = vector.extract %reduce_sum3A_684[0, 0, 0] : f32 from vector<1x1x1xf32>
    %max3A_686 = arith.constant 1.000000e+00 : f32
    %max3A_687 = arith.maximumf %reduce_sum3A_677, %max3A_686 : f32
    %div3A_688 = arith.divf %reduce_sum3A_685, %max3A_687 : f32
    %jit3A_689 = arith.constant 0.000000e+00 : f32
    %select_n3A_690 = arith.select %gt3A_679, %div3A_688, %jit3A_689 : f32
    %add3A_691 = arith.addf %select_n3A_690, %div3A : f32
    %get3A_692 = arith.constant 0 : index
    %get3A_693 = arith.constant 0 : index
    %get3A_694 = vector.load %arg8[%get3A_692, %get3A_693] : memref<1x1xf32, #tpu.memory_space<vmem>>, vector<1x1xf32>
    %get3A_695 = vector.extract %get3A_694[0, 0] : f32 from vector<1x1xf32>
    %mul3A_696 = arith.constant 1.000000e-01 : f32
    %mul3A_697 = arith.mulf %get3A_695, %mul3A_696 : f32
    %add3A_698 = arith.addf %add3A_691, %mul3A_697 : f32
    %reshape3A = vector.broadcast %add3A_698 : f32 to vector<1x1xf32>
    %swap3A_699 = arith.constant 0 : index
    %swap3A_700 = arith.constant 0 : index
    %swap3A_701 = vector.load %arg9[%swap3A_699, %swap3A_700] : memref<1x1xf32, #tpu.memory_space<vmem>>, vector<1x1xf32>
    tpu.vector_store %arg9[%swap3A_699, %swap3A_700], %reshape3A {strides = array<i32>} : memref<1x1xf32, #tpu.memory_space<vmem>>, vector<1x1xf32>,
    return
  }
}

</mosaic_0001>

<sc_bundles>
// kernel: _run.5.cloned.1.call-start
scs
__scs_entry_jumppad:
0x0: {  	(pc) =	sbr.rel $0x88, $3  }
0x1: {  	(tag) =	ssettag $0x0;
	lr =	simm.s32 $0x1  }
0x2: {  	[smem:$0x3F9C] =	sst lr;
	_ =	strace $0xD0000000  }
0x3: {  	_ = 	snop  }
0x4: {  	_ = 	snop  }
0x5: {  	_ = 	snop  }
0x6: {  	_ = 	snop  }
0x7: {  	_ = 	snop  }
__scs_overlays_trampoline_lowered:
0x8: {  	[smem:$0x3FAB] =	sst s0  }
0x9: {  	[smem:$0x3FAC] =	sst s1  }
0xa: {  	[smem:$0x3FAD] =	sst s2  }
0xb: {  	[smem:$0x3FAE] =	sst s3  }
0xc: {  	[smem:$0x3FAF] =	sst s4  }
0xd: {  	[smem:$0x3FB0] =	sst s5  }
0xe: {  	[smem:$0x3FB1] =	sst s6  }
0xf: {  	[smem:$0x3FB2] =	sst s7  }
0x10: {  	[smem:$0x3FB3] =	sst s8  }
0x11: {  	[smem:$0x3FB4] =	sst s9;
	s0 =	simm.s32 @!p0 $0x0  }
0x12: {  	s1 =	sld [smem:$0x3F9A];
	s0 =	simm.s32 @p0 $0x1  }
0x13: {  	[smem:$0x3FB5] =	sst s0;
	s0 =	simm.s32 @!p1 $0x0  }
0x14: {  	s2 =	sld [smem:$0x3F99];
	s0 =	simm.s32 @p1 $0x1  }
0x15: {  	[smem:$0x3FB6] =	sst s0;
	s0 =	simm.s32 @!p2 $0x0  }
0x16: {  	s3 =	sld [smem:$0x3FDB];
	s0 =	simm.s32 @p2 $0x1  }
0x17: {  	s4 =	simm.s32 $0x1BF5;
	[smem:$0x3FB8] =	sst s0  }
0x18: {  	s0 =	sld [smem:$0x3F9B];
	_ =	swait.ge [sflag:s4], $0x0  }
0x19: {  	s7 =	sld [smem:$0x3F9C]  }
0x1a: {  	s8 =	sadd.s32 $0xFFFFE003, lr  }
0x1b: {  	s9 =	sadd.s32 $0xFFFFFEF7, lr;
	s5 =	simm.s32 $0xFFFFFFFF;
	p2 =	slt.u32 s8, $0xFFFFF086  }
0x1c: {  	p1 =	slt.u32 s9, $0xF7A;
	s5 =	simm.s32 @!p2 $0x0  }
0x1d: {  	s5 =	simm.s32 @p1 $0x1;
	p0 =	seq.s32 s7, s2  }
0x1e: {  	s7 =	smul.u32 @!p0 $0xF7A, s2;
	p2 =	seq.s32 @!p0 s5, $0x0  }
0x1f: {  	s9 =	smul.u32 $0xF7A, s1;
	s8 =	simm.s32 @!p0 $0x1BF5;
	p2 =	por !p2, p0  }
0x20: {  	[sflag:s8] =	ssyncset.s32 @!p0 $0xFFFFF086;
	s6 =	sadd.s32 @!p0 s3, s7;
	s7 =	simm.s32 @!p0 $0x108  }
0x21: {  	s3 =	sadd.s32 s3, s9;
	s6 =	sadd.s32 @!p0 $0x88, s6;
	s7 =	simm.s32 @p2 $0x1082  }
0x22: {  	[simem:s7], [sflag:s8] =	dma.local @!p0 [hbm:s6], $0xF7A  }
0x23: {  	s9 =	sor.u32 $0xD0000000, s2;
	s6 =	simm.s32 $0x108;
	_ =	swait.ge @!p0 [sflag:s8], $0x0  }
0x24: {  	s3 =	sadd.s32 $0x88, s3;
	s6 =	simm.s32 @!p1 $0x1082;
	[sflag:s4] =	ssyncset.s32 $0xFFFFF086  }
0x25: {  	[simem:s6], [sflag:s4] =	dma.local [hbm:s3], $0xF7A  }
0x26: {  	[smem:$0x3F9C] =	sst s1;
	(tag) =	ssettag s2;
	_ =	strace s9  }
0x27: {  	s1 =	sld [smem:$0x3FAC]  }
0x28: {  	s2 =	sld [smem:$0x3FAD]  }
0x29: {  	s4 =	sld [smem:$0x3FAF]  }
0x2a: {  	p0 =	seq.s32 s5, $0x0;
	s5 =	sld [smem:$0x3FB0]  }
0x2b: {  	s6 =	sld [smem:$0x3FB1]  }
0x2c: {  	s7 =	sld [smem:$0x3FB2]  }
0x2d: {  	s3 =	simm.s32 $0x108;
	s8 =	sld [smem:$0x3FB3]  }
0x2e: {  	s3 =	simm.s32 @!p0 $0x1082;
	s9 =	sld [smem:$0x3FB4]  }
0x2f: {  	lr =	sadd.s32 s0, s3;
	s0 =	sld [smem:$0x3FAB]  }
0x30: {  	s3 =	sld [smem:$0x3FAE]  }
0x31: {  	[smem:$0x3FB7] =	sst s10  }
0x32: {  	s10 =	sld [smem:$0x3FB5];
	_ =	sdelay $0x3  }
0x33: {  	p0 =	seq.s32 s10, $0x1;
	s10 =	sld [smem:$0x3FB7];
	_ =	sdelay $0x3  }
0x34: {  	[smem:$0x3FB7] =	sst s10  }
0x35: {  	s10 =	sld [smem:$0x3FB6];
	_ =	sdelay $0x3  }
0x36: {  	p1 =	seq.s32 s10, $0x1;
	s10 =	sld [smem:$0x3FB7];
	_ =	sdelay $0x3  }
0x37: {  	[smem:$0x3FB7] =	sst s10  }
0x38: {  	s10 =	sld [smem:$0x3FB8]  }
0x39: {  	_ = 	snop;
	(pc) =	sbr.ind lr, $3  }
0x3a: {  	_ = 	snop  }
0x3b: {  	_ = 	snop  }
0x3c: {  	p2 =	seq.s32 s10, $0x1;
	s10 =	sld [smem:$0x3FB7]  }
0x3d: {  	_ =	shalt  }
0x3e: {  	_ =	shalt  }
0x3f: {  	_ =	shalt  }
0x40: {  	_ =	shalt  }
0x41: {  	_ =	shalt  }
0x42: {  	_ =	shalt  }
0x43: {  	_ =	shalt  }
0x44: {  	_ =	shalt  }
0x45: {  	_ =	shalt  }
0x46: {  	_ =	shalt  }
0x47: {  	_ =	shalt  }
0x48: {  	_ =	shalt  }
0x49: {  	_ =	shalt  }
0x4a: {  	_ =	shalt  }
0x4b: {  	_ =	shalt  }
0x4c: {  	_ =	shalt  }
0x4d: {  	_ =	shalt  }
0x4e: {  	_ =	shalt  }
0x4f: {  	_ =	shalt  }
0x50: {  	_ =	shalt  }
0x51: {  	_ =	shalt  }
0x52: {  	_ =	shalt  }
0x53: {  	_ =	shalt  }
0x54: {  	_ =	shalt  }
0x55: {  	_ =	shalt  }
0x56: {  	_ =	shalt  }
0x57: {  	_ =	shalt  }
0x58: {  	_ =	shalt  }
0x59: {  	_ =	shalt  }
0x5a: {  	_ =	shalt  }
0x5b: {  	_ =	shalt  }
0x5c: {  	_ =	shalt  }
0x5d: {  	_ =	shalt  }
0x5e: {  	_ =	shalt  }
0x5f: {  	_ =	shalt  }
0x60: {  	_ =	shalt  }
0x61: {  	_ =	shalt  }
0x62: {  	_ =	shalt  }
0x63: {  	_ =	shalt  }
0x64: {  	_ =	shalt  }
0x65: {  	_ =	shalt  }
0x66: {  	_ =	shalt  }
0x67: {  	_ =	shalt  }
0x68: {  	_ =	shalt  }
0x69: {  	_ =	shalt  }
0x6a: {  	_ =	shalt  }
0x6b: {  	_ =	shalt  }
0x6c: {  	_ =	shalt  }
0x6d: {  	_ =	shalt  }
0x6e: {  	_ =	shalt  }
0x6f: {  	_ =	shalt  }
0x70: {  	_ =	shalt  }
0x71: {  	_ =	shalt  }
0x72: {  	_ =	shalt  }
0x73: {  	_ =	shalt  }
0x74: {  	_ =	shalt  }
0x75: {  	_ =	shalt  }
0x76: {  	_ =	shalt  }
0x77: {  	_ =	shalt  }
0x78: {  	_ =	shalt  }
0x79: {  	_ =	shalt  }
0x7a: {  	_ =	shalt  }
0x7b: {  	_ =	shalt  }
0x7c: {  	_ =	shalt  }
0x7d: {  	_ =	shalt  }
0x7e: {  	_ =	shalt  }
0x7f: {  	_ =	shalt  }
0x80: {  	_ =	shalt  }
0x81: {  	_ =	shalt  }
0x82: {  	_ =	shalt  }
0x83: {  	_ =	shalt  }
0x84: {  	_ =	shalt  }
0x85: {  	_ =	shalt  }
0x86: {  	_ =	shalt  }
0x87: {  	_ =	shalt  }
.Lfunc_end0:
.L_simem_size_0:
called_computation_lowered:
.L_overlay_start_0:
0x88: {  	s2 =	sld [smem:$0x3FD9]  }
0x89: {  	s3 =	sld [smem:$0x3FFE];
	_ =	sdelay $0x1  }
0x8a: {  	s1 =	srdreg.scid  }
0x8b: {  	s0 =	sand.u32 $0x1, s1  }
0x8c: {  	s17 =	sshll.u32 s0, $0xA;
	s2 =	sadd.s32 s3, s2  }
0x8d: {  	s2 =	sadd.s32 s2, s17  }
0x8e: {  	[smem:$0x3FC3] =	sst s2  }
0x8f: {  	_ = 	snop  }
0x90: {  	s2 =	sld [smem:$0x3FC6]  }
0x91: {  	s18 =	sld [smem:$0x3FC5];
	(tm) =	ssettm $0x1  }
0x92: {  	s4 =	sld [smem:$0x3FFB];
	_ =	sdelay $0x3  }
0x93: {  	_ =	strace s4  }
0x94: {  	s4 =	sld [smem:$0x3FFC];
	_ =	sdelay $0x3  }
0x95: {  	_ =	strace s4  }
0x96: {  	s4 =	sld [smem:$0x3FFD];
	_ =	sdelay $0x3  }
0x97: {  	_ =	strace s4  }
0x98: {  	_ =	strace $0x8FFFFFFF  }
0x99: {  	s19 =	sld [smem:$0x3FDB];
	_ =	sdelay $0x1  }
0x9a: {  	s5 =	simm.s32 $_scs_section_size  }
0x9b: {  	s6 =	simm.s32 $_size__tile_overlayer_lowered;
	s7 =	simm.s32 $_tile_overlayer_lowered  }
0x9c: {  	s22 =	simm.s32 $0x1BFF;
	s21 =	sshll.u32 s7, $0x1;
	s4 =	sadd.s32 s5, s19  }
0x9d: {  	s8 =	simm.s32 $0x0;
	s20 =	sshll.u32 s6, $0x1;
	s6 =	sadd.s32 s21, s4  }
0x9e: {  	[timem:s8], [sflag:s22] =	dma.local [hbm:s6], s20  }
0x9f: {  	_ =	swait.ge [sflag:s22], s20  }
0xa0: {  	s5 =	ssub.s32 $0x0, s20;
	[sflag:s22] =	ssyncset.done $0x0  }
0xa1: {  	[sflag:s22] =	ssyncadd.s32 s5;
	_ =	sdelay $0x1  }
0xa2: {  	s23 =	simm.s32 $0x1B8B  }
0xa3: {  	_ =	swait.ge [sflag:s23], $0x1  }
0xa4: {  	[sflag:s23] =	ssyncset.done $0x0  }
0xa5: {  	s25 =	simm.s32 $0x1B8E;
	s24 =	sld [smem:$0x3FFE];
	[sflag:s23] =	ssyncadd.s32 $0xFFFFFFFF  }
0xa6: {  	s26 =	simm.s32 $execute0_lowered;
	[smem:$0x3FD2] =	sst s25  }
0xa7: {  	s6 =	sshll.u32 s26, $0x1;
	_ =	strace $0x80000046;
	[dreg:$0x1] =	wrdreg $0xFFFFFFFF  }
0xa8: {  	s28 =	simm.s32 $_size_execute0_lowered;
	s4 =	sadd.s32 s4, s6;
	[dreg:$0x0] =	wrdreg $0x0  }
0xa9: {  	s6 =	sshll.u32 s28, $0x1;
	[dreg:$0x2] =	wrdreg s4  }
0xaa: {  	[dreg:$0x3] =	wrdreg s6  }
0xab: {  	[dreg:$0x4] =	wrdreg $0xC0  }
0xac: {  	_ =	task [dreg:s8], $0x5FFFF  }
0xad: {  	[dreg:$0x1] =	wrdreg $0xFFFFFFFF  }
0xae: {  	[dreg:$0x0] =	wrdreg $0x60  }
0xaf: {  	[dreg:$0x2] =	wrdreg s2  }
0xb0: {  	[dreg:$0x3] =	wrdreg s18  }
0xb1: {  	[dreg:$0x4] =	wrdreg s24  }
0xb2: {  	[dreg:$0x5] =	wrdreg $0x9  }
0xb3: {  	_ =	task.clear_ibuf [dreg:s8], $0x6FFFF;
	_ =	strace $0x90000046  }
0xb4: {  	s29 =	simm.s32 $0x9;
	_ =	strace $0x80000048  }
0xb5: {  	_ =	swait.ge [sflag:s29], $0x1  }
0xb6: {  	[sflag:s29] =	ssyncadd.s32 $0xFFFFFFFF  }
0xb7: {  	_ =	strace $0x90000048  }
0xb8: {  	_ =	sfence  }
0xb9: {  	s30 =	sld [smem:$0x0];
	_ =	sdelay $0x2  }
0xba: {  	s31 =	sshll.u32 s1, $0xD;
	s1 =	sshrl.u32 s1, $0x2  }
0xbb: {  	s3 =	sand.u32 $0x4000, s31;
	s1 =	sadd.s32 s1, s30  }
0xbc: {  	s0 =	sor.u32 s3, s0;
	s1 =	sshll.u32 s1, $0x11  }
0xbd: {  	s0 =	sor.u32 s1, s0  }
0xbe: {  	s0 =	sadd.s32 $0x8F2B, s0  }
0xbf: {  	[sflag:s0] =	ssyncadd.remote.s32 $0x1  }
0xc0: {  	_ =	sfence.sel $0xFFFF  }
0xc1: {  	[dreg:$0x0] =	wrdreg $0xFFFFFFFF;
	(pc) =	sbr.abs _section_cstart, $3  }
0xc2: {  	[dreg:$0x1] =	wrdreg $0xFFFFFFFF  }
0xc3: {  	_ =	task.clear_ibuf [dreg:s8], $0x2FFFF;
	_ =	strace $0x9FFFFFFF  }
0xc4: {  	(tm) =	ssettm $0x7FFFFFFF  }
0xc5: {  	_ =	shalt  }
tec
execute0_lowered:
.L_overlay_start_1:
0x0: {  	(tag) =	ssettag $0x1  }
0x1: {  	s0 =	srdreg.scid  }
0x2: {  	s4 =	sand.u32 $0x1, s0;
	s0 =	stileid.u32  }
0x3: {  	s6 =	sor.u32 s0, s4  }
0x4: {  	p0 =	sne.s32 s6, $0x0  }
.Ltmp0:
0x5: {  	_ = 	snop;
	(pc) =	sbr.rel @p0 .LBB2_7-.Ltmp0, $4  }
0x6: {  	s1 =	rddreg [dreg:$0x0]  }
0x7: {  	s3 =	rddreg [dreg:$0x1]  }
0x8: {  	s5 =	rddreg [dreg:$0x2]  }
0x9: {  	s2 =	rddreg [dreg:$0x3];
	_ =	strace $0x80000047  }
0xa: {  	s6 =	ssub.s32 $0x2, s4;
	s4 =	sadd.s32 $0x1200, s5;
	s7 =	simm.s32 $0x1  }
0xb: {  	s8 =	simm.s32 $0x800;
	s9 =	simm.s32 $0x10800;
	s31 =	sshrl.u32 s6, $0x1  }
0xc: {  	v0 =	vlaneseq.u32;
	v1 =	vimm.f32 $0.0e+00;
	s10 =	simm.s32 $0x0;
	s5 =	ssub.s32 s6, s31;
	s6 =	simm.s32 $0x0  }
.LBB2_2:
0xd: {  	[tilespmem:s6], [sflag:$0x1] =	stream.linear.gather [hbm4b:s1+s6], $0x400, $0x38;
	[tilespmem:$0x10C00] =	vst v63  }
0xe: {  	_ =	swait.ge [sflag:s7], $0x400  }
0xf: {  	[sflag:s7] =	ssyncset.done $0x0  }
0x10: {  	s11 =	simm.s32 $0x400;
	[sflag:s7] =	ssyncadd.s32 $0xFFFFFC00  }
0x11: {  	[tilespmem:s11], [sflag:$0x1] =	stream.linear.gather [hbm4b:s3+s6], $0x400, $0x38;
	[tilespmem:$0x10C00] =	vst v63  }
0x12: {  	_ =	swait.ge [sflag:s7], $0x400  }
0x13: {  	s12 =	simm.s32 $0x400;
	[sflag:s7] =	ssyncset.done $0x0  }
0x14: {  	s13 =	simm.s32 $0x0;
	s14 =	simm.s32 $0x0;
	[sflag:s7] =	ssyncadd.s32 $0xFFFFFC00  }
.LBB2_3:
0x15: {  	v2 =	vld [tilespmem:s13+$0x0]  }
0x16: {  	v3 =	vld [tilespmem:s12+$0x0];
	_ =	sdelay $0x3  }
0x17: {  	v2 =	vshll.u32 v2, $0x9  }
0x18: {  	p0 =	sne.s32 s14, $0x3F0;
	v2 =	vadd.s32 v3, v2  }
.Ltmp1:
0x19: {  	_ = 	snop;
	(pc) =	sbr.rel @p0 .LBB2_3-.Ltmp1, $3  }
0x1a: {  	_ =	sdelay $0x1  }
0x1b: {  	v3 =	vor.u32 s14, v0  }
0x1c: {  	s13 =	sadd.s32 $0x10, s13;
	s12 =	sadd.s32 $0x10, s12;
	s14 =	sadd.s32 $0x10, s14;
	[tilespmem:v2+s8+$0x0] =	vst.idx.msk $0xffff, v3  }
0x1d: {  	s12 =	simm.s32 $0x0  }
0x1e: {  	v2 =	vld [tilespmem:s12+$0x0]  }
0x1f: {  	v3 =	vld [tilespmem:s11+$0x0];
	_ =	sdelay $0x3  }
0x20: {  	v2 =	vshll.u32 v2, $0x9  }
0x21: {  	v2 =	vadd.s32 v3, v2;
	_ =	sdelay $0x4  }
0x22: {  	v2 =	vld.idx.msk [tilespmem:v2+s8+$0x0], $0xffff;
	_ =	sdelay $0x3  }
0x23: {  	v3 =	vor.u32 s12, v0  }
0x24: {  	vm0 =	veq.s32 v2, v3  }
0x25: {  	s11 =	simm.s32 $0x10800;
	v2 =	vsel vm0, $0x3F800000, v1  }
0x26: {  	s12 =	simm.s32 $0x10;
	[tilespmem:s11+$0x0] =	vst v2  }
0x27: {  	s14 =	simm.s32 $0x20;
	s13 =	simm.s32 $0x410;
	s15 =	simm.s32 $0x10;
	v2 =	vld [tilespmem:s12+$0x0]  }
.LBB2_5:
0x28: {  	p0 =	sne.s32 s14, $0x3F0;
	v3 =	vld [tilespmem:s13+$0x0];
	_ =	sdelay $0x3  }
0x29: {  	v2 =	vshll.u32 v2, $0x9  }
0x2a: {  	v2 =	vadd.s32 v3, v2;
	_ =	sdelay $0x4  }
0x2b: {  	v2 =	vld.idx.msk [tilespmem:v2+s8+$0x0], $0xffff;
	_ =	sdelay $0x4  }
.Ltmp2:
0x2c: {  	v3 =	vor.u32 s12, v0;
	s12 =	smov.u32 s14;
	(pc) =	sbr.rel @p0 .LBB2_5-.Ltmp2, $4  }
0x2d: {  	vm0 =	veq.s32 v2, v3  }
0x2e: {  	s11 =	sadd.s32 $0x10, s11;
	v2 =	vsel vm0, $0x3F800000, v1  }
0x2f: {  	s15 =	sadd.s32 $0x10, s15;
	[tilespmem:s11+$0x0] =	vst v2  }
0x30: {  	s13 =	sadd.s32 $0x10, s13;
	s14 =	sadd.s32 $0x10, s14;
	v2 =	vld [tilespmem:s15+$0x0]  }
0x31: {  	v3 =	vld [tilespmem:s13+$0x0];
	_ =	sdelay $0x3  }
0x32: {  	v2 =	vshll.u32 v2, $0x9  }
0x33: {  	v2 =	vadd.s32 v3, v2;
	_ =	sdelay $0x4  }
0x34: {  	v2 =	vld.idx.msk [tilespmem:v2+s8+$0x0], $0xffff;
	_ =	sdelay $0x3  }
0x35: {  	v3 =	vor.u32 s12, v0  }
0x36: {  	s10 =	sadd.s32 $0x1, s10;
	vm0 =	veq.s32 v2, v3  }
0x37: {  	s11 =	sadd.s32 $0x10, s11;
	p0 =	sne.s32 s10, s5;
	v2 =	vsel vm0, $0x3F800000, v1  }
.Ltmp3:
0x38: {  	[tilespmem:s11+$0x0] =	vst v2;
	(pc) =	sbr.rel @p0 .LBB2_2-.Ltmp3, $4  }
0x39: {  	[hbm4b:s4+s6] =	stream.linear.scatter [tilespmem:s9], [sflag:$0x1], $0x400, $0x38;
	[tilespmem:$0x10C00] =	vst v63  }
0x3a: {  	_ =	swait.ge [sflag:s7], $0x400  }
0x3b: {  	[sflag:s7] =	ssyncset.done $0x0  }
0x3c: {  	[sflag:s7] =	ssyncadd.s32 $0xFFFFFC00  }
.LBB2_7:
0x3d: {  	_ =	sfence.sel $0x180000  }
0x3e: {  	[bflag:$0x0] =	sbarrier.arrive $0xFFFF  }
0x3f: {  	p0 =	sne.s32 s0, $0x0;
	_ =	strace $0x90000047  }
0x40: {  	s0 =	sadd.s32 @!p0 $0x100000, s2;
	[bflag:$0x2] =	sbarrier.arrive $0xFFFF  }
0x41: {  	[sflag:s0] =	ssyncadd.tile.s32 @!p0 $0x1;
	_ =	shalt  }
.Lfunc_end2:
_tile_overlayer_lowered:
.L_overlay_start_2:
0x42: {  	(tag) =	ssettag $0x2  }
0x43: {  	s0 =	rddreg [dreg:$0x0];
	s2 =	stileid.u32  }
0x44: {  	s1 =	rddreg [dreg:$0x1];
	p0 =	sne.s32 s2, $0x0  }
0x45: {  	s3 =	rddreg [dreg:$0x2];
	[bflag:$0x3] =	sbarrier.arrive $0xFFFF;
	s2 =	simm.s32 @!p0 $0x1C01  }
0x46: {  	[timem:s3], [sflag:s2] =	dma.local @!p0 [hbm:s0], s1  }
0x47: {  	s0 =	simm.s32 @!p0 $0x1  }
0x48: {  	_ =	swait.ge @!p0 [sflag:s0], s1  }
0x49: {  	s1 =	ssub.s32 @!p0 $0x0, s1;
	[sflag:s0] =	ssyncset.done @!p0 $0x0  }
0x4a: {  	[sflag:s0] =	ssyncadd.s32 @!p0 s1  }
0x4b: {  	[bflag:$0x3] =	sbarrier.arrive $0xFFFF  }
0x4c: {  	_ =	shalt  }

</sc_bundles>
